<compile_context>
chip_gen: v7x
topology: tpu7x:2x2x1
jax: 0.10.2.dev20260603
libtpu: 0.0.44.dev20260713+nightly
codegen_flags: <defaults>
</compile_context>

<pallas_src>
import jax
import jax.numpy as jnp
from jax import lax
from jax.experimental import pallas as pl
from jax.experimental.pallas import tpu as pltpu
from jax.experimental.pallas import tpu_sc as plsc

N_ACTIONS = 1000
BATCH = 16384

NUM_CORES = 2
NUM_SUBCORES = 16
LANES = 16
NUM_WORKERS = NUM_CORES * NUM_SUBCORES
B_PER_W = BATCH // NUM_WORKERS
CHUNK = 128
N_CHUNKS = B_PER_W // CHUNK


def _sc_body(batch_hbm, table_hbm, out_hbm, pairs_v, qidx_v, out_v, sem):
  wid = lax.axis_index("s") * NUM_CORES + lax.axis_index("c")
  base = wid * B_PER_W

  pltpu.sync_copy(batch_hbm.at[pl.ds(2 * B_PER_W * wid, 2 * B_PER_W)], pairs_v)

  copies = []
  for j in range(N_CHUNKS):
    for i in range(CHUNK // LANES):
      a0 = pairs_v[pl.ds(2 * CHUNK * j + LANES * i, LANES)]
      a1 = pairs_v[pl.ds(2 * CHUNK * j + CHUNK + LANES * i, LANES)]
      qidx_v[j, pl.ds(LANES * i, LANES)] = a0 * N_ACTIONS + a1
    copies.append(
        pltpu.async_copy(table_hbm.at[qidx_v.at[j]], out_v.at[j], sem.at[j]))

  for j in range(N_CHUNKS):
    copies[j].wait()
    pltpu.sync_copy(out_v.at[j], out_hbm.at[pl.ds(base + CHUNK * j, CHUNK)])


@jax.jit
def kernel(batch, q_table):
  blocks = BATCH // CHUNK
  batch_lin = (batch.astype(jnp.int32).T
               .reshape(2, blocks, CHUNK)
               .transpose(1, 0, 2)
               .reshape(2 * BATCH))
  table_flat = q_table.reshape(-1)
  mesh = plsc.VectorSubcoreMesh(
      core_axis_name="c", subcore_axis_name="s", num_cores=NUM_CORES)
  run = pl.kernel(
      _sc_body,
      out_type=jax.ShapeDtypeStruct((BATCH,), jnp.float32),
      mesh=mesh,
      scratch_types=[
          pltpu.VMEM((2 * B_PER_W,), jnp.int32),
          pltpu.VMEM((N_CHUNKS, CHUNK), jnp.int32),
          pltpu.VMEM((N_CHUNKS, CHUNK), jnp.float32),
          pltpu.SemaphoreType.DMA((N_CHUNKS,)),
      ],
  )
  return run(batch_lin, table_flat)

# --- scband reference (transcript-rebuilt; emitter-appended) ---
"""Pipeline reference for scband-global-q-50654844289024 (READ-ONLY COPY).

The authoritative reference and input builder live on the scoring server;
editing this copy changes nothing except your own understanding.
"""

import jax, jax.numpy as jnp
import numpy as np

N_ACTIONS = 1000
BATCH = 16384

def setup_inputs(seed: int = 0) -> dict:
    key = jax.random.key(seed)
    k1, k2 = jax.random.split(key)
    batch = jax.random.randint(k1, (BATCH, 2), 0, N_ACTIONS)
    # Q-table parameter (zeros in the original module; use random values so the
    # gather is nontrivial while keeping the same math: q = q_table[a0, a1])
    q_table = jax.random.normal(k2, (N_ACTIONS, N_ACTIONS), dtype=jnp.float32)
    return {"batch": batch, "q_table": q_table}

def reference(batch, q_table):
    # Faithful translation of the python loop:
    #   q[idx] = q_table[batch[idx][0]][batch[idx][1]]
    # vectorized as a 2D gather.
    q = q_table[batch[:, 0], batch[:, 1]]
    return q

if __name__ == "__main__":
    import jax
    _d = setup_inputs()
    print(jax.jit(kernel)(*tuple(_d.values())))

</pallas_src>

<mosaic_0001>
#map = affine_map<(d0, d1) -> (0)>
module attributes {stable_mosaic.version = 14 : i64} {
  func.func @_sc_body(%arg0: i32, %arg1: i32, %arg2: memref<32768xi32, #tpu.memory_space<hbm>>, %arg3: memref<1000000xf32, #tpu.memory_space<hbm>>, %arg4: memref<16384xf32, #tpu.memory_space<hbm>>, %arg5: memref<1024xi32, #tpu.memory_space<vmem>>, %arg6: memref<4x128xi32, #tpu.memory_space<vmem>>, %arg7: memref<4x128xf32, #tpu.memory_space<vmem>>, %arg8: memref<4x!tpu.dma_semaphore, #tpu.memory_space<semaphore_mem>>) attributes {dimension_semantics = [#tpu.dimension_semantics<core_parallel>, #tpu.dimension_semantics<subcore_parallel>], iteration_bounds = array<i64: 2, 16>, scalar_prefetch = 0 : i64, scratch_operands = 4 : i64, tpu.core_type = #tpu.core_type<sc_vector_subcore>, window_params = [{transform_indices = #map}, {transform_indices = #map}, {transform_indices = #map}]} {
    %mul3A = arith.constant 2 : i32
    %mul3A_0 = arith.muli %arg1, %mul3A : i32
    %add3A = arith.addi %mul3A_0, %arg0 : i32
    %mul3A_1 = arith.constant 512 : i32
    %mul3A_2 = arith.muli %add3A, %mul3A_1 : i32
    %mul3A_3 = arith.constant 1024 : i32
    %mul3A_4 = arith.muli %mul3A_3, %add3A : i32
    "tpu.region"() ({
      %run_scoped3A_628 = tpu.sem_alloc : memref<!tpu.dma_semaphore, #tpu.memory_space<semaphore_mem>>
      %dma_start3A_629 = tpu.memref_slice %arg2[%mul3A_4] : memref<32768xi32, #tpu.memory_space<hbm>> -> memref<1024xi32, #tpu.memory_space<hbm>>
      %dma_start3A_630 = tpu.memref_slice %arg2[%mul3A_4] : memref<32768xi32, #tpu.memory_space<hbm>> -> memref<1024xi32, #tpu.memory_space<hbm>>
      tpu.enqueue_dma source(%dma_start3A_630 : memref<1024xi32, #tpu.memory_space<hbm>>) target(%arg5 : memref<1024xi32, #tpu.memory_space<vmem>>) target_semaphore(%run_scoped3A_628 : memref<!tpu.dma_semaphore, #tpu.memory_space<semaphore_mem>>)
      %dma_wait3A_631 = tpu.memref_slice %arg2[%mul3A_4] : memref<32768xi32, #tpu.memory_space<hbm>> -> memref<1024xi32, #tpu.memory_space<hbm>>
      %dma_wait3A_632 = tpu.memref_slice %arg2[%mul3A_4] : memref<32768xi32, #tpu.memory_space<hbm>> -> memref<1024xi32, #tpu.memory_space<hbm>>
      tpu.wait_dma2 semaphore(%run_scoped3A_628 : memref<!tpu.dma_semaphore, #tpu.memory_space<semaphore_mem>>) src(%dma_wait3A_632 : memref<1024xi32, #tpu.memory_space<hbm>>) dst(%arg5 : memref<1024xi32, #tpu.memory_space<vmem>>)
      tpu.yield
    }) : () -> ()
    %get3A = arith.constant 0 : index
    %get3A_5 = tpu.vector_load %arg5[%get3A] {strides = array<i32>} : memref<1024xi32, #tpu.memory_space<vmem>>, vector<16xi32>,
    %get3A_6 = vector.shape_cast %get3A_5 : vector<16xi32> to vector<16xi32>
    %get3A_7 = arith.constant 128 : index
    %get3A_8 = tpu.vector_load %arg5[%get3A_7] {strides = array<i32>} : memref<1024xi32, #tpu.memory_space<vmem>>, vector<16xi32>,
    %get3A_9 = vector.shape_cast %get3A_8 : vector<16xi32> to vector<16xi32>
    %mul3A_10 = arith.constant 1000 : i32
    %mul3A_11 = vector.broadcast %mul3A_10 : i32 to vector<16xi32>
    %mul3A_12 = arith.muli %get3A_6, %mul3A_11 : vector<16xi32>
    %add3A_13 = arith.addi %mul3A_12, %get3A_9 : vector<16xi32>
    %swap3A = arith.constant 0 : i32
    %swap3A_14 = arith.index_cast %swap3A : i32 to index
    %swap3A_15 = arith.constant 0 : index
    %swap3A_16 = tpu.vector_load %arg6[%swap3A_14, %swap3A_15] {strides = array<i32>} : memref<4x128xi32, #tpu.memory_space<vmem>>, vector<1x16xi32>,
    %swap3A_17 = vector.shape_cast %swap3A_16 : vector<1x16xi32> to vector<16xi32>
    %swap3A_18 = vector.shape_cast %add3A_13 : vector<16xi32> to vector<1x16xi32>
    tpu.vector_store %arg6[%swap3A_14, %swap3A_15], %swap3A_18 {strides = array<i32>} : memref<4x128xi32, #tpu.memory_space<vmem>>, vector<1x16xi32>,
    %get3A_19 = arith.constant 16 : index
    %get3A_20 = tpu.vector_load %arg5[%get3A_19] {strides = array<i32>} : memref<1024xi32, #tpu.memory_space<vmem>>, vector<16xi32>,
    %get3A_21 = vector.shape_cast %get3A_20 : vector<16xi32> to vector<16xi32>
    %get3A_22 = arith.constant 144 : index
    %get3A_23 = tpu.vector_load %arg5[%get3A_22] {strides = array<i32>} : memref<1024xi32, #tpu.memory_space<vmem>>, vector<16xi32>,
    %get3A_24 = vector.shape_cast %get3A_23 : vector<16xi32> to vector<16xi32>
    %mul3A_25 = arith.constant 1000 : i32
    %mul3A_26 = vector.broadcast %mul3A_25 : i32 to vector<16xi32>
    %mul3A_27 = arith.muli %get3A_21, %mul3A_26 : vector<16xi32>
    %add3A_28 = arith.addi %mul3A_27, %get3A_24 : vector<16xi32>
    %swap3A_29 = arith.constant 0 : i32
    %swap3A_30 = arith.index_cast %swap3A_29 : i32 to index
    %swap3A_31 = arith.constant 16 : index
    %swap3A_32 = tpu.vector_load %arg6[%swap3A_30, %swap3A_31] {strides = array<i32>} : memref<4x128xi32, #tpu.memory_space<vmem>>, vector<1x16xi32>,
    %swap3A_33 = vector.shape_cast %swap3A_32 : vector<1x16xi32> to vector<16xi32>
    %swap3A_34 = vector.shape_cast %add3A_28 : vector<16xi32> to vector<1x16xi32>
    tpu.vector_store %arg6[%swap3A_30, %swap3A_31], %swap3A_34 {strides = array<i32>} : memref<4x128xi32, #tpu.memory_space<vmem>>, vector<1x16xi32>,
    %get3A_35 = arith.constant 32 : index
    %get3A_36 = tpu.vector_load %arg5[%get3A_35] {strides = array<i32>} : memref<1024xi32, #tpu.memory_space<vmem>>, vector<16xi32>,
    %get3A_37 = vector.shape_cast %get3A_36 : vector<16xi32> to vector<16xi32>
    %get3A_38 = arith.constant 160 : index
    %get3A_39 = tpu.vector_load %arg5[%get3A_38] {strides = array<i32>} : memref<1024xi32, #tpu.memory_space<vmem>>, vector<16xi32>,
    %get3A_40 = vector.shape_cast %get3A_39 : vector<16xi32> to vector<16xi32>
    %mul3A_41 = arith.constant 1000 : i32
    %mul3A_42 = vector.broadcast %mul3A_41 : i32 to vector<16xi32>
    %mul3A_43 = arith.muli %get3A_37, %mul3A_42 : vector<16xi32>
    %add3A_44 = arith.addi %mul3A_43, %get3A_40 : vector<16xi32>
    %swap3A_45 = arith.constant 0 : i32
    %swap3A_46 = arith.index_cast %swap3A_45 : i32 to index
    %swap3A_47 = arith.constant 32 : index
    %swap3A_48 = tpu.vector_load %arg6[%swap3A_46, %swap3A_47] {strides = array<i32>} : memref<4x128xi32, #tpu.memory_space<vmem>>, vector<1x16xi32>,
    %swap3A_49 = vector.shape_cast %swap3A_48 : vector<1x16xi32> to vector<16xi32>
    %swap3A_50 = vector.shape_cast %add3A_44 : vector<16xi32> to vector<1x16xi32>
    tpu.vector_store %arg6[%swap3A_46, %swap3A_47], %swap3A_50 {strides = array<i32>} : memref<4x128xi32, #tpu.memory_space<vmem>>, vector<1x16xi32>,
    %get3A_51 = arith.constant 48 : index
    %get3A_52 = tpu.vector_load %arg5[%get3A_51] {strides = array<i32>} : memref<1024xi32, #tpu.memory_space<vmem>>, vector<16xi32>,
    %get3A_53 = vector.shape_cast %get3A_52 : vector<16xi32> to vector<16xi32>
    %get3A_54 = arith.constant 176 : index
    %get3A_55 = tpu.vector_load %arg5[%get3A_54] {strides = array<i32>} : memref<1024xi32, #tpu.memory_space<vmem>>, vector<16xi32>,
    %get3A_56 = vector.shape_cast %get3A_55 : vector<16xi32> to vector<16xi32>
    %mul3A_57 = arith.constant 1000 : i32
    %mul3A_58 = vector.broadcast %mul3A_57 : i32 to vector<16xi32>
    %mul3A_59 = arith.muli %get3A_53, %mul3A_58 : vector<16xi32>
    %add3A_60 = arith.addi %mul3A_59, %get3A_56 : vector<16xi32>
    %swap3A_61 = arith.constant 0 : i32
    %swap3A_62 = arith.index_cast %swap3A_61 : i32 to index
    %swap3A_63 = arith.constant 48 : index
    %swap3A_64 = tpu.vector_load %arg6[%swap3A_62, %swap3A_63] {strides = array<i32>} : memref<4x128xi32, #tpu.memory_space<vmem>>, vector<1x16xi32>,
    %swap3A_65 = vector.shape_cast %swap3A_64 : vector<1x16xi32> to vector<16xi32>
    %swap3A_66 = vector.shape_cast %add3A_60 : vector<16xi32> to vector<1x16xi32>
    tpu.vector_store %arg6[%swap3A_62, %swap3A_63], %swap3A_66 {strides = array<i32>} : memref<4x128xi32, #tpu.memory_space<vmem>>, vector<1x16xi32>,
    %get3A_67 = arith.constant 64 : index
    %get3A_68 = tpu.vector_load %arg5[%get3A_67] {strides = array<i32>} : memref<1024xi32, #tpu.memory_space<vmem>>, vector<16xi32>,
    %get3A_69 = vector.shape_cast %get3A_68 : vector<16xi32> to vector<16xi32>
    %get3A_70 = arith.constant 192 : index
    %get3A_71 = tpu.vector_load %arg5[%get3A_70] {strides = array<i32>} : memref<1024xi32, #tpu.memory_space<vmem>>, vector<16xi32>,
    %get3A_72 = vector.shape_cast %get3A_71 : vector<16xi32> to vector<16xi32>
    %mul3A_73 = arith.constant 1000 : i32
    %mul3A_74 = vector.broadcast %mul3A_73 : i32 to vector<16xi32>
    %mul3A_75 = arith.muli %get3A_69, %mul3A_74 : vector<16xi32>
    %add3A_76 = arith.addi %mul3A_75, %get3A_72 : vector<16xi32>
    %swap3A_77 = arith.constant 0 : i32
    %swap3A_78 = arith.index_cast %swap3A_77 : i32 to index
    %swap3A_79 = arith.constant 64 : index
    %swap3A_80 = tpu.vector_load %arg6[%swap3A_78, %swap3A_79] {strides = array<i32>} : memref<4x128xi32, #tpu.memory_space<vmem>>, vector<1x16xi32>,
    %swap3A_81 = vector.shape_cast %swap3A_80 : vector<1x16xi32> to vector<16xi32>
    %swap3A_82 = vector.shape_cast %add3A_76 : vector<16xi32> to vector<1x16xi32>
    tpu.vector_store %arg6[%swap3A_78, %swap3A_79], %swap3A_82 {strides = array<i32>} : memref<4x128xi32, #tpu.memory_space<vmem>>, vector<1x16xi32>,
    %get3A_83 = arith.constant 80 : index
    %get3A_84 = tpu.vector_load %arg5[%get3A_83] {strides = array<i32>} : memref<1024xi32, #tpu.memory_space<vmem>>, vector<16xi32>,
    %get3A_85 = vector.shape_cast %get3A_84 : vector<16xi32> to vector<16xi32>
    %get3A_86 = arith.constant 208 : index
    %get3A_87 = tpu.vector_load %arg5[%get3A_86] {strides = array<i32>} : memref<1024xi32, #tpu.memory_space<vmem>>, vector<16xi32>,
    %get3A_88 = vector.shape_cast %get3A_87 : vector<16xi32> to vector<16xi32>
    %mul3A_89 = arith.constant 1000 : i32
    %mul3A_90 = vector.broadcast %mul3A_89 : i32 to vector<16xi32>
    %mul3A_91 = arith.muli %get3A_85, %mul3A_90 : vector<16xi32>
    %add3A_92 = arith.addi %mul3A_91, %get3A_88 : vector<16xi32>
    %swap3A_93 = arith.constant 0 : i32
    %swap3A_94 = arith.index_cast %swap3A_93 : i32 to index
    %swap3A_95 = arith.constant 80 : index
    %swap3A_96 = tpu.vector_load %arg6[%swap3A_94, %swap3A_95] {strides = array<i32>} : memref<4x128xi32, #tpu.memory_space<vmem>>, vector<1x16xi32>,
    %swap3A_97 = vector.shape_cast %swap3A_96 : vector<1x16xi32> to vector<16xi32>
    %swap3A_98 = vector.shape_cast %add3A_92 : vector<16xi32> to vector<1x16xi32>
    tpu.vector_store %arg6[%swap3A_94, %swap3A_95], %swap3A_98 {strides = array<i32>} : memref<4x128xi32, #tpu.memory_space<vmem>>, vector<1x16xi32>,
    %get3A_99 = arith.constant 96 : index
    %get3A_100 = tpu.vector_load %arg5[%get3A_99] {strides = array<i32>} : memref<1024xi32, #tpu.memory_space<vmem>>, vector<16xi32>,
    %get3A_101 = vector.shape_cast %get3A_100 : vector<16xi32> to vector<16xi32>
    %get3A_102 = arith.constant 224 : index
    %get3A_103 = tpu.vector_load %arg5[%get3A_102] {strides = array<i32>} : memref<1024xi32, #tpu.memory_space<vmem>>, vector<16xi32>,
    %get3A_104 = vector.shape_cast %get3A_103 : vector<16xi32> to vector<16xi32>
    %mul3A_105 = arith.constant 1000 : i32
    %mul3A_106 = vector.broadcast %mul3A_105 : i32 to vector<16xi32>
    %mul3A_107 = arith.muli %get3A_101, %mul3A_106 : vector<16xi32>
    %add3A_108 = arith.addi %mul3A_107, %get3A_104 : vector<16xi32>
    %swap3A_109 = arith.constant 0 : i32
    %swap3A_110 = arith.index_cast %swap3A_109 : i32 to index
    %swap3A_111 = arith.constant 96 : index
    %swap3A_112 = tpu.vector_load %arg6[%swap3A_110, %swap3A_111] {strides = array<i32>} : memref<4x128xi32, #tpu.memory_space<vmem>>, vector<1x16xi32>,
    %swap3A_113 = vector.shape_cast %swap3A_112 : vector<1x16xi32> to vector<16xi32>
    %swap3A_114 = vector.shape_cast %add3A_108 : vector<16xi32> to vector<1x16xi32>
    tpu.vector_store %arg6[%swap3A_110, %swap3A_111], %swap3A_114 {strides = array<i32>} : memref<4x128xi32, #tpu.memory_space<vmem>>, vector<1x16xi32>,
    %get3A_115 = arith.constant 112 : index
    %get3A_116 = tpu.vector_load %arg5[%get3A_115] {strides = array<i32>} : memref<1024xi32, #tpu.memory_space<vmem>>, vector<16xi32>,
    %get3A_117 = vector.shape_cast %get3A_116 : vector<16xi32> to vector<16xi32>
    %get3A_118 = arith.constant 240 : index
    %get3A_119 = tpu.vector_load %arg5[%get3A_118] {strides = array<i32>} : memref<1024xi32, #tpu.memory_space<vmem>>, vector<16xi32>,
    %get3A_120 = vector.shape_cast %get3A_119 : vector<16xi32> to vector<16xi32>
    %mul3A_121 = arith.constant 1000 : i32
    %mul3A_122 = vector.broadcast %mul3A_121 : i32 to vector<16xi32>
    %mul3A_123 = arith.muli %get3A_117, %mul3A_122 : vector<16xi32>
    %add3A_124 = arith.addi %mul3A_123, %get3A_120 : vector<16xi32>
    %swap3A_125 = arith.constant 0 : i32
    %swap3A_126 = arith.index_cast %swap3A_125 : i32 to index
    %swap3A_127 = arith.constant 112 : index
    %swap3A_128 = tpu.vector_load %arg6[%swap3A_126, %swap3A_127] {strides = array<i32>} : memref<4x128xi32, #tpu.memory_space<vmem>>, vector<1x16xi32>,
    %swap3A_129 = vector.shape_cast %swap3A_128 : vector<1x16xi32> to vector<16xi32>
    %swap3A_130 = vector.shape_cast %add3A_124 : vector<16xi32> to vector<1x16xi32>
    tpu.vector_store %arg6[%swap3A_126, %swap3A_127], %swap3A_130 {strides = array<i32>} : memref<4x128xi32, #tpu.memory_space<vmem>>, vector<1x16xi32>,
    %dma_start3A = arith.constant 0 : i32
    %dma_start3A_131 = arith.constant 0 : i32
    %dma_start3A_132 = arith.constant 0 : i32
    %dma_start3A_133 = arith.constant 0 : i32
    %dma_start3A_134 = tpu.memref_slice %arg7[%dma_start3A_131, %dma_start3A_133] : memref<4x128xf32, #tpu.memory_space<vmem>> -> memref<1x128xf32, #tpu.memory_space<vmem>>
    %dma_start3A_135 = tpu.memref_squeeze %dma_start3A_134 : memref<1x128xf32, #tpu.memory_space<vmem>> -> memref<128xf32, #tpu.memory_space<vmem>>
    %dma_start3A_136 = arith.constant 0 : i32
    %dma_start3A_137 = tpu.memref_slice %arg6[%dma_start3A, %dma_start3A_136] : memref<4x128xi32, #tpu.memory_space<vmem>> -> memref<1x128xi32, #tpu.memory_space<vmem>>
    %dma_start3A_138 = tpu.memref_squeeze %dma_start3A_137 : memref<1x128xi32, #tpu.memory_space<vmem>> -> memref<128xi32, #tpu.memory_space<vmem>>
    %dma_start3A_139 = arith.constant 0 : i32
    %dma_start3A_140 = tpu.memref_slice %arg3[%dma_start3A_139] : memref<1000000xf32, #tpu.memory_space<hbm>> -> memref<1000000xf32, #tpu.memory_space<hbm>>
    %dma_start3A_141 = tpu.memref_slice %arg8[%dma_start3A_132] : memref<4x!tpu.dma_semaphore, #tpu.memory_space<semaphore_mem>> -> memref<1x!tpu.dma_semaphore, #tpu.memory_space<semaphore_mem>>
    %dma_start3A_142 = tpu.memref_squeeze %dma_start3A_141 : memref<1x!tpu.dma_semaphore, #tpu.memory_space<semaphore_mem>> -> memref<!tpu.dma_semaphore, #tpu.memory_space<semaphore_mem>>
    tpu.enqueue_indirect_dma source(%dma_start3A_140 : memref<1000000xf32, #tpu.memory_space<hbm>>) target(%dma_start3A_135 : memref<128xf32, #tpu.memory_space<vmem>>) offsets(%dma_start3A_138 : memref<128xi32, #tpu.memory_space<vmem>>) semaphore(%dma_start3A_142 : memref<!tpu.dma_semaphore, #tpu.memory_space<semaphore_mem>>)
    %get3A_143 = arith.constant 256 : index
    %get3A_144 = tpu.vector_load %arg5[%get3A_143] {strides = array<i32>} : memref<1024xi32, #tpu.memory_space<vmem>>, vector<16xi32>,
    %get3A_145 = vector.shape_cast %get3A_144 : vector<16xi32> to vector<16xi32>
    %get3A_146 = arith.constant 384 : index
    %get3A_147 = tpu.vector_load %arg5[%get3A_146] {strides = array<i32>} : memref<1024xi32, #tpu.memory_space<vmem>>, vector<16xi32>,
    %get3A_148 = vector.shape_cast %get3A_147 : vector<16xi32> to vector<16xi32>
    %mul3A_149 = arith.constant 1000 : i32
    %mul3A_150 = vector.broadcast %mul3A_149 : i32 to vector<16xi32>
    %mul3A_151 = arith.muli %get3A_145, %mul3A_150 : vector<16xi32>
    %add3A_152 = arith.addi %mul3A_151, %get3A_148 : vector<16xi32>
    %swap3A_153 = arith.constant 1 : i32
    %swap3A_154 = arith.index_cast %swap3A_153 : i32 to index
    %swap3A_155 = arith.constant 0 : index
    %swap3A_156 = tpu.vector_load %arg6[%swap3A_154, %swap3A_155] {strides = array<i32>} : memref<4x128xi32, #tpu.memory_space<vmem>>, vector<1x16xi32>,
    %swap3A_157 = vector.shape_cast %swap3A_156 : vector<1x16xi32> to vector<16xi32>
    %swap3A_158 = vector.shape_cast %add3A_152 : vector<16xi32> to vector<1x16xi32>
    tpu.vector_store %arg6[%swap3A_154, %swap3A_155], %swap3A_158 {strides = array<i32>} : memref<4x128xi32, #tpu.memory_space<vmem>>, vector<1x16xi32>,
    %get3A_159 = arith.constant 272 : index
    %get3A_160 = tpu.vector_load %arg5[%get3A_159] {strides = array<i32>} : memref<1024xi32, #tpu.memory_space<vmem>>, vector<16xi32>,
    %get3A_161 = vector.shape_cast %get3A_160 : vector<16xi32> to vector<16xi32>
    %get3A_162 = arith.constant 400 : index
    %get3A_163 = tpu.vector_load %arg5[%get3A_162] {strides = array<i32>} : memref<1024xi32, #tpu.memory_space<vmem>>, vector<16xi32>,
    %get3A_164 = vector.shape_cast %get3A_163 : vector<16xi32> to vector<16xi32>
    %mul3A_165 = arith.constant 1000 : i32
    %mul3A_166 = vector.broadcast %mul3A_165 : i32 to vector<16xi32>
    %mul3A_167 = arith.muli %get3A_161, %mul3A_166 : vector<16xi32>
    %add3A_168 = arith.addi %mul3A_167, %get3A_164 : vector<16xi32>
    %swap3A_169 = arith.constant 1 : i32
    %swap3A_170 = arith.index_cast %swap3A_169 : i32 to index
    %swap3A_171 = arith.constant 16 : index
    %swap3A_172 = tpu.vector_load %arg6[%swap3A_170, %swap3A_171] {strides = array<i32>} : memref<4x128xi32, #tpu.memory_space<vmem>>, vector<1x16xi32>,
    %swap3A_173 = vector.shape_cast %swap3A_172 : vector<1x16xi32> to vector<16xi32>
    %swap3A_174 = vector.shape_cast %add3A_168 : vector<16xi32> to vector<1x16xi32>
    tpu.vector_store %arg6[%swap3A_170, %swap3A_171], %swap3A_174 {strides = array<i32>} : memref<4x128xi32, #tpu.memory_space<vmem>>, vector<1x16xi32>,
    %get3A_175 = arith.constant 288 : index
    %get3A_176 = tpu.vector_load %arg5[%get3A_175] {strides = array<i32>} : memref<1024xi32, #tpu.memory_space<vmem>>, vector<16xi32>,
    %get3A_177 = vector.shape_cast %get3A_176 : vector<16xi32> to vector<16xi32>
    %get3A_178 = arith.constant 416 : index
    %get3A_179 = tpu.vector_load %arg5[%get3A_178] {strides = array<i32>} : memref<1024xi32, #tpu.memory_space<vmem>>, vector<16xi32>,
    %get3A_180 = vector.shape_cast %get3A_179 : vector<16xi32> to vector<16xi32>
    %mul3A_181 = arith.constant 1000 : i32
    %mul3A_182 = vector.broadcast %mul3A_181 : i32 to vector<16xi32>
    %mul3A_183 = arith.muli %get3A_177, %mul3A_182 : vector<16xi32>
    %add3A_184 = arith.addi %mul3A_183, %get3A_180 : vector<16xi32>
    %swap3A_185 = arith.constant 1 : i32
    %swap3A_186 = arith.index_cast %swap3A_185 : i32 to index
    %swap3A_187 = arith.constant 32 : index
    %swap3A_188 = tpu.vector_load %arg6[%swap3A_186, %swap3A_187] {strides = array<i32>} : memref<4x128xi32, #tpu.memory_space<vmem>>, vector<1x16xi32>,
    %swap3A_189 = vector.shape_cast %swap3A_188 : vector<1x16xi32> to vector<16xi32>
    %swap3A_190 = vector.shape_cast %add3A_184 : vector<16xi32> to vector<1x16xi32>
    tpu.vector_store %arg6[%swap3A_186, %swap3A_187], %swap3A_190 {strides = array<i32>} : memref<4x128xi32, #tpu.memory_space<vmem>>, vector<1x16xi32>,
    %get3A_191 = arith.constant 304 : index
    %get3A_192 = tpu.vector_load %arg5[%get3A_191] {strides = array<i32>} : memref<1024xi32, #tpu.memory_space<vmem>>, vector<16xi32>,
    %get3A_193 = vector.shape_cast %get3A_192 : vector<16xi32> to vector<16xi32>
    %get3A_194 = arith.constant 432 : index
    %get3A_195 = tpu.vector_load %arg5[%get3A_194] {strides = array<i32>} : memref<1024xi32, #tpu.memory_space<vmem>>, vector<16xi32>,
    %get3A_196 = vector.shape_cast %get3A_195 : vector<16xi32> to vector<16xi32>
    %mul3A_197 = arith.constant 1000 : i32
    %mul3A_198 = vector.broadcast %mul3A_197 : i32 to vector<16xi32>
    %mul3A_199 = arith.muli %get3A_193, %mul3A_198 : vector<16xi32>
    %add3A_200 = arith.addi %mul3A_199, %get3A_196 : vector<16xi32>
    %swap3A_201 = arith.constant 1 : i32
    %swap3A_202 = arith.index_cast %swap3A_201 : i32 to index
    %swap3A_203 = arith.constant 48 : index
    %swap3A_204 = tpu.vector_load %arg6[%swap3A_202, %swap3A_203] {strides = array<i32>} : memref<4x128xi32, #tpu.memory_space<vmem>>, vector<1x16xi32>,
    %swap3A_205 = vector.shape_cast %swap3A_204 : vector<1x16xi32> to vector<16xi32>
    %swap3A_206 = vector.shape_cast %add3A_200 : vector<16xi32> to vector<1x16xi32>
    tpu.vector_store %arg6[%swap3A_202, %swap3A_203], %swap3A_206 {strides = array<i32>} : memref<4x128xi32, #tpu.memory_space<vmem>>, vector<1x16xi32>,
    %get3A_207 = arith.constant 320 : index
    %get3A_208 = tpu.vector_load %arg5[%get3A_207] {strides = array<i32>} : memref<1024xi32, #tpu.memory_space<vmem>>, vector<16xi32>,
    %get3A_209 = vector.shape_cast %get3A_208 : vector<16xi32> to vector<16xi32>
    %get3A_210 = arith.constant 448 : index
    %get3A_211 = tpu.vector_load %arg5[%get3A_210] {strides = array<i32>} : memref<1024xi32, #tpu.memory_space<vmem>>, vector<16xi32>,
    %get3A_212 = vector.shape_cast %get3A_211 : vector<16xi32> to vector<16xi32>
    %mul3A_213 = arith.constant 1000 : i32
    %mul3A_214 = vector.broadcast %mul3A_213 : i32 to vector<16xi32>
    %mul3A_215 = arith.muli %get3A_209, %mul3A_214 : vector<16xi32>
    %add3A_216 = arith.addi %mul3A_215, %get3A_212 : vector<16xi32>
    %swap3A_217 = arith.constant 1 : i32
    %swap3A_218 = arith.index_cast %swap3A_217 : i32 to index
    %swap3A_219 = arith.constant 64 : index
    %swap3A_220 = tpu.vector_load %arg6[%swap3A_218, %swap3A_219] {strides = array<i32>} : memref<4x128xi32, #tpu.memory_space<vmem>>, vector<1x16xi32>,
    %swap3A_221 = vector.shape_cast %swap3A_220 : vector<1x16xi32> to vector<16xi32>
    %swap3A_222 = vector.shape_cast %add3A_216 : vector<16xi32> to vector<1x16xi32>
    tpu.vector_store %arg6[%swap3A_218, %swap3A_219], %swap3A_222 {strides = array<i32>} : memref<4x128xi32, #tpu.memory_space<vmem>>, vector<1x16xi32>,
    %get3A_223 = arith.constant 336 : index
    %get3A_224 = tpu.vector_load %arg5[%get3A_223] {strides = array<i32>} : memref<1024xi32, #tpu.memory_space<vmem>>, vector<16xi32>,
    %get3A_225 = vector.shape_cast %get3A_224 : vector<16xi32> to vector<16xi32>
    %get3A_226 = arith.constant 464 : index
    %get3A_227 = tpu.vector_load %arg5[%get3A_226] {strides = array<i32>} : memref<1024xi32, #tpu.memory_space<vmem>>, vector<16xi32>,
    %get3A_228 = vector.shape_cast %get3A_227 : vector<16xi32> to vector<16xi32>
    %mul3A_229 = arith.constant 1000 : i32
    %mul3A_230 = vector.broadcast %mul3A_229 : i32 to vector<16xi32>
    %mul3A_231 = arith.muli %get3A_225, %mul3A_230 : vector<16xi32>
    %add3A_232 = arith.addi %mul3A_231, %get3A_228 : vector<16xi32>
    %swap3A_233 = arith.constant 1 : i32
    %swap3A_234 = arith.index_cast %swap3A_233 : i32 to index
    %swap3A_235 = arith.constant 80 : index
    %swap3A_236 = tpu.vector_load %arg6[%swap3A_234, %swap3A_235] {strides = array<i32>} : memref<4x128xi32, #tpu.memory_space<vmem>>, vector<1x16xi32>,
    %swap3A_237 = vector.shape_cast %swap3A_236 : vector<1x16xi32> to vector<16xi32>
    %swap3A_238 = vector.shape_cast %add3A_232 : vector<16xi32> to vector<1x16xi32>
    tpu.vector_store %arg6[%swap3A_234, %swap3A_235], %swap3A_238 {strides = array<i32>} : memref<4x128xi32, #tpu.memory_space<vmem>>, vector<1x16xi32>,
    %get3A_239 = arith.constant 352 : index
    %get3A_240 = tpu.vector_load %arg5[%get3A_239] {strides = array<i32>} : memref<1024xi32, #tpu.memory_space<vmem>>, vector<16xi32>,
    %get3A_241 = vector.shape_cast %get3A_240 : vector<16xi32> to vector<16xi32>
    %get3A_242 = arith.constant 480 : index
    %get3A_243 = tpu.vector_load %arg5[%get3A_242] {strides = array<i32>} : memref<1024xi32, #tpu.memory_space<vmem>>, vector<16xi32>,
    %get3A_244 = vector.shape_cast %get3A_243 : vector<16xi32> to vector<16xi32>
    %mul3A_245 = arith.constant 1000 : i32
    %mul3A_246 = vector.broadcast %mul3A_245 : i32 to vector<16xi32>
    %mul3A_247 = arith.muli %get3A_241, %mul3A_246 : vector<16xi32>
    %add3A_248 = arith.addi %mul3A_247, %get3A_244 : vector<16xi32>
    %swap3A_249 = arith.constant 1 : i32
    %swap3A_250 = arith.index_cast %swap3A_249 : i32 to index
    %swap3A_251 = arith.constant 96 : index
    %swap3A_252 = tpu.vector_load %arg6[%swap3A_250, %swap3A_251] {strides = array<i32>} : memref<4x128xi32, #tpu.memory_space<vmem>>, vector<1x16xi32>,
    %swap3A_253 = vector.shape_cast %swap3A_252 : vector<1x16xi32> to vector<16xi32>
    %swap3A_254 = vector.shape_cast %add3A_248 : vector<16xi32> to vector<1x16xi32>
    tpu.vector_store %arg6[%swap3A_250, %swap3A_251], %swap3A_254 {strides = array<i32>} : memref<4x128xi32, #tpu.memory_space<vmem>>, vector<1x16xi32>,
    %get3A_255 = arith.constant 368 : index
    %get3A_256 = tpu.vector_load %arg5[%get3A_255] {strides = array<i32>} : memref<1024xi32, #tpu.memory_space<vmem>>, vector<16xi32>,
    %get3A_257 = vector.shape_cast %get3A_256 : vector<16xi32> to vector<16xi32>
    %get3A_258 = arith.constant 496 : index
    %get3A_259 = tpu.vector_load %arg5[%get3A_258] {strides = array<i32>} : memref<1024xi32, #tpu.memory_space<vmem>>, vector<16xi32>,
    %get3A_260 = vector.shape_cast %get3A_259 : vector<16xi32> to vector<16xi32>
    %mul3A_261 = arith.constant 1000 : i32
    %mul3A_262 = vector.broadcast %mul3A_261 : i32 to vector<16xi32>
    %mul3A_263 = arith.muli %get3A_257, %mul3A_262 : vector<16xi32>
    %add3A_264 = arith.addi %mul3A_263, %get3A_260 : vector<16xi32>
    %swap3A_265 = arith.constant 1 : i32
    %swap3A_266 = arith.index_cast %swap3A_265 : i32 to index
    %swap3A_267 = arith.constant 112 : index
    %swap3A_268 = tpu.vector_load %arg6[%swap3A_266, %swap3A_267] {strides = array<i32>} : memref<4x128xi32, #tpu.memory_space<vmem>>, vector<1x16xi32>,
    %swap3A_269 = vector.shape_cast %swap3A_268 : vector<1x16xi32> to vector<16xi32>
    %swap3A_270 = vector.shape_cast %add3A_264 : vector<16xi32> to vector<1x16xi32>
    tpu.vector_store %arg6[%swap3A_266, %swap3A_267], %swap3A_270 {strides = array<i32>} : memref<4x128xi32, #tpu.memory_space<vmem>>, vector<1x16xi32>,
    %dma_start3A_271 = arith.constant 1 : i32
    %dma_start3A_272 = arith.constant 1 : i32
    %dma_start3A_273 = arith.constant 1 : i32
    %dma_start3A_274 = arith.constant 0 : i32
    %dma_start3A_275 = tpu.memref_slice %arg7[%dma_start3A_272, %dma_start3A_274] : memref<4x128xf32, #tpu.memory_space<vmem>> -> memref<1x128xf32, #tpu.memory_space<vmem>>
    %dma_start3A_276 = tpu.memref_squeeze %dma_start3A_275 : memref<1x128xf32, #tpu.memory_space<vmem>> -> memref<128xf32, #tpu.memory_space<vmem>>
    %dma_start3A_277 = arith.constant 0 : i32
    %dma_start3A_278 = tpu.memref_slice %arg6[%dma_start3A_271, %dma_start3A_277] : memref<4x128xi32, #tpu.memory_space<vmem>> -> memref<1x128xi32, #tpu.memory_space<vmem>>
    %dma_start3A_279 = tpu.memref_squeeze %dma_start3A_278 : memref<1x128xi32, #tpu.memory_space<vmem>> -> memref<128xi32, #tpu.memory_space<vmem>>
    %dma_start3A_280 = arith.constant 0 : i32
    %dma_start3A_281 = tpu.memref_slice %arg3[%dma_start3A_280] : memref<1000000xf32, #tpu.memory_space<hbm>> -> memref<1000000xf32, #tpu.memory_space<hbm>>
    %dma_start3A_282 = tpu.memref_slice %arg8[%dma_start3A_273] : memref<4x!tpu.dma_semaphore, #tpu.memory_space<semaphore_mem>> -> memref<1x!tpu.dma_semaphore, #tpu.memory_space<semaphore_mem>>
    %dma_start3A_283 = tpu.memref_squeeze %dma_start3A_282 : memref<1x!tpu.dma_semaphore, #tpu.memory_space<semaphore_mem>> -> memref<!tpu.dma_semaphore, #tpu.memory_space<semaphore_mem>>
    tpu.enqueue_indirect_dma source(%dma_start3A_281 : memref<1000000xf32, #tpu.memory_space<hbm>>) target(%dma_start3A_276 : memref<128xf32, #tpu.memory_space<vmem>>) offsets(%dma_start3A_279 : memref<128xi32, #tpu.memory_space<vmem>>) semaphore(%dma_start3A_283 : memref<!tpu.dma_semaphore, #tpu.memory_space<semaphore_mem>>)
    %get3A_284 = arith.constant 512 : index
    %get3A_285 = tpu.vector_load %arg5[%get3A_284] {strides = array<i32>} : memref<1024xi32, #tpu.memory_space<vmem>>, vector<16xi32>,
    %get3A_286 = vector.shape_cast %get3A_285 : vector<16xi32> to vector<16xi32>
    %get3A_287 = arith.constant 640 : index
    %get3A_288 = tpu.vector_load %arg5[%get3A_287] {strides = array<i32>} : memref<1024xi32, #tpu.memory_space<vmem>>, vector<16xi32>,
    %get3A_289 = vector.shape_cast %get3A_288 : vector<16xi32> to vector<16xi32>
    %mul3A_290 = arith.constant 1000 : i32
    %mul3A_291 = vector.broadcast %mul3A_290 : i32 to vector<16xi32>
    %mul3A_292 = arith.muli %get3A_286, %mul3A_291 : vector<16xi32>
    %add3A_293 = arith.addi %mul3A_292, %get3A_289 : vector<16xi32>
    %swap3A_294 = arith.constant 2 : i32
    %swap3A_295 = arith.index_cast %swap3A_294 : i32 to index
    %swap3A_296 = arith.constant 0 : index
    %swap3A_297 = tpu.vector_load %arg6[%swap3A_295, %swap3A_296] {strides = array<i32>} : memref<4x128xi32, #tpu.memory_space<vmem>>, vector<1x16xi32>,
    %swap3A_298 = vector.shape_cast %swap3A_297 : vector<1x16xi32> to vector<16xi32>
    %swap3A_299 = vector.shape_cast %add3A_293 : vector<16xi32> to vector<1x16xi32>
    tpu.vector_store %arg6[%swap3A_295, %swap3A_296], %swap3A_299 {strides = array<i32>} : memref<4x128xi32, #tpu.memory_space<vmem>>, vector<1x16xi32>,
    %get3A_300 = arith.constant 528 : index
    %get3A_301 = tpu.vector_load %arg5[%get3A_300] {strides = array<i32>} : memref<1024xi32, #tpu.memory_space<vmem>>, vector<16xi32>,
    %get3A_302 = vector.shape_cast %get3A_301 : vector<16xi32> to vector<16xi32>
    %get3A_303 = arith.constant 656 : index
    %get3A_304 = tpu.vector_load %arg5[%get3A_303] {strides = array<i32>} : memref<1024xi32, #tpu.memory_space<vmem>>, vector<16xi32>,
    %get3A_305 = vector.shape_cast %get3A_304 : vector<16xi32> to vector<16xi32>
    %mul3A_306 = arith.constant 1000 : i32
    %mul3A_307 = vector.broadcast %mul3A_306 : i32 to vector<16xi32>
    %mul3A_308 = arith.muli %get3A_302, %mul3A_307 : vector<16xi32>
    %add3A_309 = arith.addi %mul3A_308, %get3A_305 : vector<16xi32>
    %swap3A_310 = arith.constant 2 : i32
    %swap3A_311 = arith.index_cast %swap3A_310 : i32 to index
    %swap3A_312 = arith.constant 16 : index
    %swap3A_313 = tpu.vector_load %arg6[%swap3A_311, %swap3A_312] {strides = array<i32>} : memref<4x128xi32, #tpu.memory_space<vmem>>, vector<1x16xi32>,
    %swap3A_314 = vector.shape_cast %swap3A_313 : vector<1x16xi32> to vector<16xi32>
    %swap3A_315 = vector.shape_cast %add3A_309 : vector<16xi32> to vector<1x16xi32>
    tpu.vector_store %arg6[%swap3A_311, %swap3A_312], %swap3A_315 {strides = array<i32>} : memref<4x128xi32, #tpu.memory_space<vmem>>, vector<1x16xi32>,
    %get3A_316 = arith.constant 544 : index
    %get3A_317 = tpu.vector_load %arg5[%get3A_316] {strides = array<i32>} : memref<1024xi32, #tpu.memory_space<vmem>>, vector<16xi32>,
    %get3A_318 = vector.shape_cast %get3A_317 : vector<16xi32> to vector<16xi32>
    %get3A_319 = arith.constant 672 : index
    %get3A_320 = tpu.vector_load %arg5[%get3A_319] {strides = array<i32>} : memref<1024xi32, #tpu.memory_space<vmem>>, vector<16xi32>,
    %get3A_321 = vector.shape_cast %get3A_320 : vector<16xi32> to vector<16xi32>
    %mul3A_322 = arith.constant 1000 : i32
    %mul3A_323 = vector.broadcast %mul3A_322 : i32 to vector<16xi32>
    %mul3A_324 = arith.muli %get3A_318, %mul3A_323 : vector<16xi32>
    %add3A_325 = arith.addi %mul3A_324, %get3A_321 : vector<16xi32>
    %swap3A_326 = arith.constant 2 : i32
    %swap3A_327 = arith.index_cast %swap3A_326 : i32 to index
    %swap3A_328 = arith.constant 32 : index
    %swap3A_329 = tpu.vector_load %arg6[%swap3A_327, %swap3A_328] {strides = array<i32>} : memref<4x128xi32, #tpu.memory_space<vmem>>, vector<1x16xi32>,
    %swap3A_330 = vector.shape_cast %swap3A_329 : vector<1x16xi32> to vector<16xi32>
    %swap3A_331 = vector.shape_cast %add3A_325 : vector<16xi32> to vector<1x16xi32>
    tpu.vector_store %arg6[%swap3A_327, %swap3A_328], %swap3A_331 {strides = array<i32>} : memref<4x128xi32, #tpu.memory_space<vmem>>, vector<1x16xi32>,
    %get3A_332 = arith.constant 560 : index
    %get3A_333 = tpu.vector_load %arg5[%get3A_332] {strides = array<i32>} : memref<1024xi32, #tpu.memory_space<vmem>>, vector<16xi32>,
    %get3A_334 = vector.shape_cast %get3A_333 : vector<16xi32> to vector<16xi32>
    %get3A_335 = arith.constant 688 : index
    %get3A_336 = tpu.vector_load %arg5[%get3A_335] {strides = array<i32>} : memref<1024xi32, #tpu.memory_space<vmem>>, vector<16xi32>,
    %get3A_337 = vector.shape_cast %get3A_336 : vector<16xi32> to vector<16xi32>
    %mul3A_338 = arith.constant 1000 : i32
    %mul3A_339 = vector.broadcast %mul3A_338 : i32 to vector<16xi32>
    %mul3A_340 = arith.muli %get3A_334, %mul3A_339 : vector<16xi32>
    %add3A_341 = arith.addi %mul3A_340, %get3A_337 : vector<16xi32>
    %swap3A_342 = arith.constant 2 : i32
    %swap3A_343 = arith.index_cast %swap3A_342 : i32 to index
    %swap3A_344 = arith.constant 48 : index
    %swap3A_345 = tpu.vector_load %arg6[%swap3A_343, %swap3A_344] {strides = array<i32>} : memref<4x128xi32, #tpu.memory_space<vmem>>, vector<1x16xi32>,
    %swap3A_346 = vector.shape_cast %swap3A_345 : vector<1x16xi32> to vector<16xi32>
    %swap3A_347 = vector.shape_cast %add3A_341 : vector<16xi32> to vector<1x16xi32>
    tpu.vector_store %arg6[%swap3A_343, %swap3A_344], %swap3A_347 {strides = array<i32>} : memref<4x128xi32, #tpu.memory_space<vmem>>, vector<1x16xi32>,
    %get3A_348 = arith.constant 576 : index
    %get3A_349 = tpu.vector_load %arg5[%get3A_348] {strides = array<i32>} : memref<1024xi32, #tpu.memory_space<vmem>>, vector<16xi32>,
    %get3A_350 = vector.shape_cast %get3A_349 : vector<16xi32> to vector<16xi32>
    %get3A_351 = arith.constant 704 : index
    %get3A_352 = tpu.vector_load %arg5[%get3A_351] {strides = array<i32>} : memref<1024xi32, #tpu.memory_space<vmem>>, vector<16xi32>,
    %get3A_353 = vector.shape_cast %get3A_352 : vector<16xi32> to vector<16xi32>
    %mul3A_354 = arith.constant 1000 : i32
    %mul3A_355 = vector.broadcast %mul3A_354 : i32 to vector<16xi32>
    %mul3A_356 = arith.muli %get3A_350, %mul3A_355 : vector<16xi32>
    %add3A_357 = arith.addi %mul3A_356, %get3A_353 : vector<16xi32>
    %swap3A_358 = arith.constant 2 : i32
    %swap3A_359 = arith.index_cast %swap3A_358 : i32 to index
    %swap3A_360 = arith.constant 64 : index
    %swap3A_361 = tpu.vector_load %arg6[%swap3A_359, %swap3A_360] {strides = array<i32>} : memref<4x128xi32, #tpu.memory_space<vmem>>, vector<1x16xi32>,
    %swap3A_362 = vector.shape_cast %swap3A_361 : vector<1x16xi32> to vector<16xi32>
    %swap3A_363 = vector.shape_cast %add3A_357 : vector<16xi32> to vector<1x16xi32>
    tpu.vector_store %arg6[%swap3A_359, %swap3A_360], %swap3A_363 {strides = array<i32>} : memref<4x128xi32, #tpu.memory_space<vmem>>, vector<1x16xi32>,
    %get3A_364 = arith.constant 592 : index
    %get3A_365 = tpu.vector_load %arg5[%get3A_364] {strides = array<i32>} : memref<1024xi32, #tpu.memory_space<vmem>>, vector<16xi32>,
    %get3A_366 = vector.shape_cast %get3A_365 : vector<16xi32> to vector<16xi32>
    %get3A_367 = arith.constant 720 : index
    %get3A_368 = tpu.vector_load %arg5[%get3A_367] {strides = array<i32>} : memref<1024xi32, #tpu.memory_space<vmem>>, vector<16xi32>,
    %get3A_369 = vector.shape_cast %get3A_368 : vector<16xi32> to vector<16xi32>
    %mul3A_370 = arith.constant 1000 : i32
    %mul3A_371 = vector.broadcast %mul3A_370 : i32 to vector<16xi32>
    %mul3A_372 = arith.muli %get3A_366, %mul3A_371 : vector<16xi32>
    %add3A_373 = arith.addi %mul3A_372, %get3A_369 : vector<16xi32>
    %swap3A_374 = arith.constant 2 : i32
    %swap3A_375 = arith.index_cast %swap3A_374 : i32 to index
    %swap3A_376 = arith.constant 80 : index
    %swap3A_377 = tpu.vector_load %arg6[%swap3A_375, %swap3A_376] {strides = array<i32>} : memref<4x128xi32, #tpu.memory_space<vmem>>, vector<1x16xi32>,
    %swap3A_378 = vector.shape_cast %swap3A_377 : vector<1x16xi32> to vector<16xi32>
    %swap3A_379 = vector.shape_cast %add3A_373 : vector<16xi32> to vector<1x16xi32>
    tpu.vector_store %arg6[%swap3A_375, %swap3A_376], %swap3A_379 {strides = array<i32>} : memref<4x128xi32, #tpu.memory_space<vmem>>, vector<1x16xi32>,
    %get3A_380 = arith.constant 608 : index
    %get3A_381 = tpu.vector_load %arg5[%get3A_380] {strides = array<i32>} : memref<1024xi32, #tpu.memory_space<vmem>>, vector<16xi32>,
    %get3A_382 = vector.shape_cast %get3A_381 : vector<16xi32> to vector<16xi32>
    %get3A_383 = arith.constant 736 : index
    %get3A_384 = tpu.vector_load %arg5[%get3A_383] {strides = array<i32>} : memref<1024xi32, #tpu.memory_space<vmem>>, vector<16xi32>,
    %get3A_385 = vector.shape_cast %get3A_384 : vector<16xi32> to vector<16xi32>
    %mul3A_386 = arith.constant 1000 : i32
    %mul3A_387 = vector.broadcast %mul3A_386 : i32 to vector<16xi32>
    %mul3A_388 = arith.muli %get3A_382, %mul3A_387 : vector<16xi32>
    %add3A_389 = arith.addi %mul3A_388, %get3A_385 : vector<16xi32>
    %swap3A_390 = arith.constant 2 : i32
    %swap3A_391 = arith.index_cast %swap3A_390 : i32 to index
    %swap3A_392 = arith.constant 96 : index
    %swap3A_393 = tpu.vector_load %arg6[%swap3A_391, %swap3A_392] {strides = array<i32>} : memref<4x128xi32, #tpu.memory_space<vmem>>, vector<1x16xi32>,
    %swap3A_394 = vector.shape_cast %swap3A_393 : vector<1x16xi32> to vector<16xi32>
    %swap3A_395 = vector.shape_cast %add3A_389 : vector<16xi32> to vector<1x16xi32>
    tpu.vector_store %arg6[%swap3A_391, %swap3A_392], %swap3A_395 {strides = array<i32>} : memref<4x128xi32, #tpu.memory_space<vmem>>, vector<1x16xi32>,
    %get3A_396 = arith.constant 624 : index
    %get3A_397 = tpu.vector_load %arg5[%get3A_396] {strides = array<i32>} : memref<1024xi32, #tpu.memory_space<vmem>>, vector<16xi32>,
    %get3A_398 = vector.shape_cast %get3A_397 : vector<16xi32> to vector<16xi32>
    %get3A_399 = arith.constant 752 : index
    %get3A_400 = tpu.vector_load %arg5[%get3A_399] {strides = array<i32>} : memref<1024xi32, #tpu.memory_space<vmem>>, vector<16xi32>,
    %get3A_401 = vector.shape_cast %get3A_400 : vector<16xi32> to vector<16xi32>
    %mul3A_402 = arith.constant 1000 : i32
    %mul3A_403 = vector.broadcast %mul3A_402 : i32 to vector<16xi32>
    %mul3A_404 = arith.muli %get3A_398, %mul3A_403 : vector<16xi32>
    %add3A_405 = arith.addi %mul3A_404, %get3A_401 : vector<16xi32>
    %swap3A_406 = arith.constant 2 : i32
    %swap3A_407 = arith.index_cast %swap3A_406 : i32 to index
    %swap3A_408 = arith.constant 112 : index
    %swap3A_409 = tpu.vector_load %arg6[%swap3A_407, %swap3A_408] {strides = array<i32>} : memref<4x128xi32, #tpu.memory_space<vmem>>, vector<1x16xi32>,
    %swap3A_410 = vector.shape_cast %swap3A_409 : vector<1x16xi32> to vector<16xi32>
    %swap3A_411 = vector.shape_cast %add3A_405 : vector<16xi32> to vector<1x16xi32>
    tpu.vector_store %arg6[%swap3A_407, %swap3A_408], %swap3A_411 {strides = array<i32>} : memref<4x128xi32, #tpu.memory_space<vmem>>, vector<1x16xi32>,
    %dma_start3A_412 = arith.constant 2 : i32
    %dma_start3A_413 = arith.constant 2 : i32
    %dma_start3A_414 = arith.constant 2 : i32
    %dma_start3A_415 = arith.constant 0 : i32
    %dma_start3A_416 = tpu.memref_slice %arg7[%dma_start3A_413, %dma_start3A_415] : memref<4x128xf32, #tpu.memory_space<vmem>> -> memref<1x128xf32, #tpu.memory_space<vmem>>
    %dma_start3A_417 = tpu.memref_squeeze %dma_start3A_416 : memref<1x128xf32, #tpu.memory_space<vmem>> -> memref<128xf32, #tpu.memory_space<vmem>>
    %dma_start3A_418 = arith.constant 0 : i32
    %dma_start3A_419 = tpu.memref_slice %arg6[%dma_start3A_412, %dma_start3A_418] : memref<4x128xi32, #tpu.memory_space<vmem>> -> memref<1x128xi32, #tpu.memory_space<vmem>>
    %dma_start3A_420 = tpu.memref_squeeze %dma_start3A_419 : memref<1x128xi32, #tpu.memory_space<vmem>> -> memref<128xi32, #tpu.memory_space<vmem>>
    %dma_start3A_421 = arith.constant 0 : i32
    %dma_start3A_422 = tpu.memref_slice %arg3[%dma_start3A_421] : memref<1000000xf32, #tpu.memory_space<hbm>> -> memref<1000000xf32, #tpu.memory_space<hbm>>
    %dma_start3A_423 = tpu.memref_slice %arg8[%dma_start3A_414] : memref<4x!tpu.dma_semaphore, #tpu.memory_space<semaphore_mem>> -> memref<1x!tpu.dma_semaphore, #tpu.memory_space<semaphore_mem>>
    %dma_start3A_424 = tpu.memref_squeeze %dma_start3A_423 : memref<1x!tpu.dma_semaphore, #tpu.memory_space<semaphore_mem>> -> memref<!tpu.dma_semaphore, #tpu.memory_space<semaphore_mem>>
    tpu.enqueue_indirect_dma source(%dma_start3A_422 : memref<1000000xf32, #tpu.memory_space<hbm>>) target(%dma_start3A_417 : memref<128xf32, #tpu.memory_space<vmem>>) offsets(%dma_start3A_420 : memref<128xi32, #tpu.memory_space<vmem>>) semaphore(%dma_start3A_424 : memref<!tpu.dma_semaphore, #tpu.memory_space<semaphore_mem>>)
    %get3A_425 = arith.constant 768 : index
    %get3A_426 = tpu.vector_load %arg5[%get3A_425] {strides = array<i32>} : memref<1024xi32, #tpu.memory_space<vmem>>, vector<16xi32>,
    %get3A_427 = vector.shape_cast %get3A_426 : vector<16xi32> to vector<16xi32>
    %get3A_428 = arith.constant 896 : index
    %get3A_429 = tpu.vector_load %arg5[%get3A_428] {strides = array<i32>} : memref<1024xi32, #tpu.memory_space<vmem>>, vector<16xi32>,
    %get3A_430 = vector.shape_cast %get3A_429 : vector<16xi32> to vector<16xi32>
    %mul3A_431 = arith.constant 1000 : i32
    %mul3A_432 = vector.broadcast %mul3A_431 : i32 to vector<16xi32>
    %mul3A_433 = arith.muli %get3A_427, %mul3A_432 : vector<16xi32>
    %add3A_434 = arith.addi %mul3A_433, %get3A_430 : vector<16xi32>
    %swap3A_435 = arith.constant 3 : i32
    %swap3A_436 = arith.index_cast %swap3A_435 : i32 to index
    %swap3A_437 = arith.constant 0 : index
    %swap3A_438 = tpu.vector_load %arg6[%swap3A_436, %swap3A_437] {strides = array<i32>} : memref<4x128xi32, #tpu.memory_space<vmem>>, vector<1x16xi32>,
    %swap3A_439 = vector.shape_cast %swap3A_438 : vector<1x16xi32> to vector<16xi32>
    %swap3A_440 = vector.shape_cast %add3A_434 : vector<16xi32> to vector<1x16xi32>
    tpu.vector_store %arg6[%swap3A_436, %swap3A_437], %swap3A_440 {strides = array<i32>} : memref<4x128xi32, #tpu.memory_space<vmem>>, vector<1x16xi32>,
    %get3A_441 = arith.constant 784 : index
    %get3A_442 = tpu.vector_load %arg5[%get3A_441] {strides = array<i32>} : memref<1024xi32, #tpu.memory_space<vmem>>, vector<16xi32>,
    %get3A_443 = vector.shape_cast %get3A_442 : vector<16xi32> to vector<16xi32>
    %get3A_444 = arith.constant 912 : index
    %get3A_445 = tpu.vector_load %arg5[%get3A_444] {strides = array<i32>} : memref<1024xi32, #tpu.memory_space<vmem>>, vector<16xi32>,
    %get3A_446 = vector.shape_cast %get3A_445 : vector<16xi32> to vector<16xi32>
    %mul3A_447 = arith.constant 1000 : i32
    %mul3A_448 = vector.broadcast %mul3A_447 : i32 to vector<16xi32>
    %mul3A_449 = arith.muli %get3A_443, %mul3A_448 : vector<16xi32>
    %add3A_450 = arith.addi %mul3A_449, %get3A_446 : vector<16xi32>
    %swap3A_451 = arith.constant 3 : i32
    %swap3A_452 = arith.index_cast %swap3A_451 : i32 to index
    %swap3A_453 = arith.constant 16 : index
    %swap3A_454 = tpu.vector_load %arg6[%swap3A_452, %swap3A_453] {strides = array<i32>} : memref<4x128xi32, #tpu.memory_space<vmem>>, vector<1x16xi32>,
    %swap3A_455 = vector.shape_cast %swap3A_454 : vector<1x16xi32> to vector<16xi32>
    %swap3A_456 = vector.shape_cast %add3A_450 : vector<16xi32> to vector<1x16xi32>
    tpu.vector_store %arg6[%swap3A_452, %swap3A_453], %swap3A_456 {strides = array<i32>} : memref<4x128xi32, #tpu.memory_space<vmem>>, vector<1x16xi32>,
    %get3A_457 = arith.constant 800 : index
    %get3A_458 = tpu.vector_load %arg5[%get3A_457] {strides = array<i32>} : memref<1024xi32, #tpu.memory_space<vmem>>, vector<16xi32>,
    %get3A_459 = vector.shape_cast %get3A_458 : vector<16xi32> to vector<16xi32>
    %get3A_460 = arith.constant 928 : index
    %get3A_461 = tpu.vector_load %arg5[%get3A_460] {strides = array<i32>} : memref<1024xi32, #tpu.memory_space<vmem>>, vector<16xi32>,
    %get3A_462 = vector.shape_cast %get3A_461 : vector<16xi32> to vector<16xi32>
    %mul3A_463 = arith.constant 1000 : i32
    %mul3A_464 = vector.broadcast %mul3A_463 : i32 to vector<16xi32>
    %mul3A_465 = arith.muli %get3A_459, %mul3A_464 : vector<16xi32>
    %add3A_466 = arith.addi %mul3A_465, %get3A_462 : vector<16xi32>
    %swap3A_467 = arith.constant 3 : i32
    %swap3A_468 = arith.index_cast %swap3A_467 : i32 to index
    %swap3A_469 = arith.constant 32 : index
    %swap3A_470 = tpu.vector_load %arg6[%swap3A_468, %swap3A_469] {strides = array<i32>} : memref<4x128xi32, #tpu.memory_space<vmem>>, vector<1x16xi32>,
    %swap3A_471 = vector.shape_cast %swap3A_470 : vector<1x16xi32> to vector<16xi32>
    %swap3A_472 = vector.shape_cast %add3A_466 : vector<16xi32> to vector<1x16xi32>
    tpu.vector_store %arg6[%swap3A_468, %swap3A_469], %swap3A_472 {strides = array<i32>} : memref<4x128xi32, #tpu.memory_space<vmem>>, vector<1x16xi32>,
    %get3A_473 = arith.constant 816 : index
    %get3A_474 = tpu.vector_load %arg5[%get3A_473] {strides = array<i32>} : memref<1024xi32, #tpu.memory_space<vmem>>, vector<16xi32>,
    %get3A_475 = vector.shape_cast %get3A_474 : vector<16xi32> to vector<16xi32>
    %get3A_476 = arith.constant 944 : index
    %get3A_477 = tpu.vector_load %arg5[%get3A_476] {strides = array<i32>} : memref<1024xi32, #tpu.memory_space<vmem>>, vector<16xi32>,
    %get3A_478 = vector.shape_cast %get3A_477 : vector<16xi32> to vector<16xi32>
    %mul3A_479 = arith.constant 1000 : i32
    %mul3A_480 = vector.broadcast %mul3A_479 : i32 to vector<16xi32>
    %mul3A_481 = arith.muli %get3A_475, %mul3A_480 : vector<16xi32>
    %add3A_482 = arith.addi %mul3A_481, %get3A_478 : vector<16xi32>
    %swap3A_483 = arith.constant 3 : i32
    %swap3A_484 = arith.index_cast %swap3A_483 : i32 to index
    %swap3A_485 = arith.constant 48 : index
    %swap3A_486 = tpu.vector_load %arg6[%swap3A_484, %swap3A_485] {strides = array<i32>} : memref<4x128xi32, #tpu.memory_space<vmem>>, vector<1x16xi32>,
    %swap3A_487 = vector.shape_cast %swap3A_486 : vector<1x16xi32> to vector<16xi32>
    %swap3A_488 = vector.shape_cast %add3A_482 : vector<16xi32> to vector<1x16xi32>
    tpu.vector_store %arg6[%swap3A_484, %swap3A_485], %swap3A_488 {strides = array<i32>} : memref<4x128xi32, #tpu.memory_space<vmem>>, vector<1x16xi32>,
    %get3A_489 = arith.constant 832 : index
    %get3A_490 = tpu.vector_load %arg5[%get3A_489] {strides = array<i32>} : memref<1024xi32, #tpu.memory_space<vmem>>, vector<16xi32>,
    %get3A_491 = vector.shape_cast %get3A_490 : vector<16xi32> to vector<16xi32>
    %get3A_492 = arith.constant 960 : index
    %get3A_493 = tpu.vector_load %arg5[%get3A_492] {strides = array<i32>} : memref<1024xi32, #tpu.memory_space<vmem>>, vector<16xi32>,
    %get3A_494 = vector.shape_cast %get3A_493 : vector<16xi32> to vector<16xi32>
    %mul3A_495 = arith.constant 1000 : i32
    %mul3A_496 = vector.broadcast %mul3A_495 : i32 to vector<16xi32>
    %mul3A_497 = arith.muli %get3A_491, %mul3A_496 : vector<16xi32>
    %add3A_498 = arith.addi %mul3A_497, %get3A_494 : vector<16xi32>
    %swap3A_499 = arith.constant 3 : i32
    %swap3A_500 = arith.index_cast %swap3A_499 : i32 to index
    %swap3A_501 = arith.constant 64 : index
    %swap3A_502 = tpu.vector_load %arg6[%swap3A_500, %swap3A_501] {strides = array<i32>} : memref<4x128xi32, #tpu.memory_space<vmem>>, vector<1x16xi32>,
    %swap3A_503 = vector.shape_cast %swap3A_502 : vector<1x16xi32> to vector<16xi32>
    %swap3A_504 = vector.shape_cast %add3A_498 : vector<16xi32> to vector<1x16xi32>
    tpu.vector_store %arg6[%swap3A_500, %swap3A_501], %swap3A_504 {strides = array<i32>} : memref<4x128xi32, #tpu.memory_space<vmem>>, vector<1x16xi32>,
    %get3A_505 = arith.constant 848 : index
    %get3A_506 = tpu.vector_load %arg5[%get3A_505] {strides = array<i32>} : memref<1024xi32, #tpu.memory_space<vmem>>, vector<16xi32>,
    %get3A_507 = vector.shape_cast %get3A_506 : vector<16xi32> to vector<16xi32>
    %get3A_508 = arith.constant 976 : index
    %get3A_509 = tpu.vector_load %arg5[%get3A_508] {strides = array<i32>} : memref<1024xi32, #tpu.memory_space<vmem>>, vector<16xi32>,
    %get3A_510 = vector.shape_cast %get3A_509 : vector<16xi32> to vector<16xi32>
    %mul3A_511 = arith.constant 1000 : i32
    %mul3A_512 = vector.broadcast %mul3A_511 : i32 to vector<16xi32>
    %mul3A_513 = arith.muli %get3A_507, %mul3A_512 : vector<16xi32>
    %add3A_514 = arith.addi %mul3A_513, %get3A_510 : vector<16xi32>
    %swap3A_515 = arith.constant 3 : i32
    %swap3A_516 = arith.index_cast %swap3A_515 : i32 to index
    %swap3A_517 = arith.constant 80 : index
    %swap3A_518 = tpu.vector_load %arg6[%swap3A_516, %swap3A_517] {strides = array<i32>} : memref<4x128xi32, #tpu.memory_space<vmem>>, vector<1x16xi32>,
    %swap3A_519 = vector.shape_cast %swap3A_518 : vector<1x16xi32> to vector<16xi32>
    %swap3A_520 = vector.shape_cast %add3A_514 : vector<16xi32> to vector<1x16xi32>
    tpu.vector_store %arg6[%swap3A_516, %swap3A_517], %swap3A_520 {strides = array<i32>} : memref<4x128xi32, #tpu.memory_space<vmem>>, vector<1x16xi32>,
    %get3A_521 = arith.constant 864 : index
    %get3A_522 = tpu.vector_load %arg5[%get3A_521] {strides = array<i32>} : memref<1024xi32, #tpu.memory_space<vmem>>, vector<16xi32>,
    %get3A_523 = vector.shape_cast %get3A_522 : vector<16xi32> to vector<16xi32>
    %get3A_524 = arith.constant 992 : index
    %get3A_525 = tpu.vector_load %arg5[%get3A_524] {strides = array<i32>} : memref<1024xi32, #tpu.memory_space<vmem>>, vector<16xi32>,
    %get3A_526 = vector.shape_cast %get3A_525 : vector<16xi32> to vector<16xi32>
    %mul3A_527 = arith.constant 1000 : i32
    %mul3A_528 = vector.broadcast %mul3A_527 : i32 to vector<16xi32>
    %mul3A_529 = arith.muli %get3A_523, %mul3A_528 : vector<16xi32>
    %add3A_530 = arith.addi %mul3A_529, %get3A_526 : vector<16xi32>
    %swap3A_531 = arith.constant 3 : i32
    %swap3A_532 = arith.index_cast %swap3A_531 : i32 to index
    %swap3A_533 = arith.constant 96 : index
    %swap3A_534 = tpu.vector_load %arg6[%swap3A_532, %swap3A_533] {strides = array<i32>} : memref<4x128xi32, #tpu.memory_space<vmem>>, vector<1x16xi32>,
    %swap3A_535 = vector.shape_cast %swap3A_534 : vector<1x16xi32> to vector<16xi32>
    %swap3A_536 = vector.shape_cast %add3A_530 : vector<16xi32> to vector<1x16xi32>
    tpu.vector_store %arg6[%swap3A_532, %swap3A_533], %swap3A_536 {strides = array<i32>} : memref<4x128xi32, #tpu.memory_space<vmem>>, vector<1x16xi32>,
    %get3A_537 = arith.constant 880 : index
    %get3A_538 = tpu.vector_load %arg5[%get3A_537] {strides = array<i32>} : memref<1024xi32, #tpu.memory_space<vmem>>, vector<16xi32>,
    %get3A_539 = vector.shape_cast %get3A_538 : vector<16xi32> to vector<16xi32>
    %get3A_540 = arith.constant 1008 : index
    %get3A_541 = tpu.vector_load %arg5[%get3A_540] {strides = array<i32>} : memref<1024xi32, #tpu.memory_space<vmem>>, vector<16xi32>,
    %get3A_542 = vector.shape_cast %get3A_541 : vector<16xi32> to vector<16xi32>
    %mul3A_543 = arith.constant 1000 : i32
    %mul3A_544 = vector.broadcast %mul3A_543 : i32 to vector<16xi32>
    %mul3A_545 = arith.muli %get3A_539, %mul3A_544 : vector<16xi32>
    %add3A_546 = arith.addi %mul3A_545, %get3A_542 : vector<16xi32>
    %swap3A_547 = arith.constant 3 : i32
    %swap3A_548 = arith.index_cast %swap3A_547 : i32 to index
    %swap3A_549 = arith.constant 112 : index
    %swap3A_550 = tpu.vector_load %arg6[%swap3A_548, %swap3A_549] {strides = array<i32>} : memref<4x128xi32, #tpu.memory_space<vmem>>, vector<1x16xi32>,
    %swap3A_551 = vector.shape_cast %swap3A_550 : vector<1x16xi32> to vector<16xi32>
    %swap3A_552 = vector.shape_cast %add3A_546 : vector<16xi32> to vector<1x16xi32>
    tpu.vector_store %arg6[%swap3A_548, %swap3A_549], %swap3A_552 {strides = array<i32>} : memref<4x128xi32, #tpu.memory_space<vmem>>, vector<1x16xi32>,
    %dma_start3A_553 = arith.constant 3 : i32
    %dma_start3A_554 = arith.constant 3 : i32
    %dma_start3A_555 = arith.constant 3 : i32
    %dma_start3A_556 = arith.constant 0 : i32
    %dma_start3A_557 = tpu.memref_slice %arg7[%dma_start3A_554, %dma_start3A_556] : memref<4x128xf32, #tpu.memory_space<vmem>> -> memref<1x128xf32, #tpu.memory_space<vmem>>
    %dma_start3A_558 = tpu.memref_squeeze %dma_start3A_557 : memref<1x128xf32, #tpu.memory_space<vmem>> -> memref<128xf32, #tpu.memory_space<vmem>>
    %dma_start3A_559 = arith.constant 0 : i32
    %dma_start3A_560 = tpu.memref_slice %arg6[%dma_start3A_553, %dma_start3A_559] : memref<4x128xi32, #tpu.memory_space<vmem>> -> memref<1x128xi32, #tpu.memory_space<vmem>>
    %dma_start3A_561 = tpu.memref_squeeze %dma_start3A_560 : memref<1x128xi32, #tpu.memory_space<vmem>> -> memref<128xi32, #tpu.memory_space<vmem>>
    %dma_start3A_562 = arith.constant 0 : i32
    %dma_start3A_563 = tpu.memref_slice %arg3[%dma_start3A_562] : memref<1000000xf32, #tpu.memory_space<hbm>> -> memref<1000000xf32, #tpu.memory_space<hbm>>
    %dma_start3A_564 = tpu.memref_slice %arg8[%dma_start3A_555] : memref<4x!tpu.dma_semaphore, #tpu.memory_space<semaphore_mem>> -> memref<1x!tpu.dma_semaphore, #tpu.memory_space<semaphore_mem>>
    %dma_start3A_565 = tpu.memref_squeeze %dma_start3A_564 : memref<1x!tpu.dma_semaphore, #tpu.memory_space<semaphore_mem>> -> memref<!tpu.dma_semaphore, #tpu.memory_space<semaphore_mem>>
    tpu.enqueue_indirect_dma source(%dma_start3A_563 : memref<1000000xf32, #tpu.memory_space<hbm>>) target(%dma_start3A_558 : memref<128xf32, #tpu.memory_space<vmem>>) offsets(%dma_start3A_561 : memref<128xi32, #tpu.memory_space<vmem>>) semaphore(%dma_start3A_565 : memref<!tpu.dma_semaphore, #tpu.memory_space<semaphore_mem>>)
    %dma_wait3A = arith.constant 0 : i32
    %dma_wait3A_566 = arith.constant 0 : i32
    %dma_wait3A_567 = arith.constant 0 : i32
    %dma_wait3A_568 = arith.constant 0 : i32
    %dma_wait3A_569 = tpu.memref_slice %arg7[%dma_wait3A_566, %dma_wait3A_568] : memref<4x128xf32, #tpu.memory_space<vmem>> -> memref<1x128xf32, #tpu.memory_space<vmem>>
    %dma_wait3A_570 = tpu.memref_squeeze %dma_wait3A_569 : memref<1x128xf32, #tpu.memory_space<vmem>> -> memref<128xf32, #tpu.memory_space<vmem>>
    %dma_wait3A_571 = arith.constant 0 : i32
    %dma_wait3A_572 = tpu.memref_slice %arg6[%dma_wait3A, %dma_wait3A_571] : memref<4x128xi32, #tpu.memory_space<vmem>> -> memref<1x128xi32, #tpu.memory_space<vmem>>
    %dma_wait3A_573 = tpu.memref_squeeze %dma_wait3A_572 : memref<1x128xi32, #tpu.memory_space<vmem>> -> memref<128xi32, #tpu.memory_space<vmem>>
    %dma_wait3A_574 = arith.constant 0 : i32
    %dma_wait3A_575 = tpu.memref_slice %arg3[%dma_wait3A_574] : memref<1000000xf32, #tpu.memory_space<hbm>> -> memref<1000000xf32, #tpu.memory_space<hbm>>
    %dma_wait3A_576 = tpu.memref_slice %arg8[%dma_wait3A_567] : memref<4x!tpu.dma_semaphore, #tpu.memory_space<semaphore_mem>> -> memref<1x!tpu.dma_semaphore, #tpu.memory_space<semaphore_mem>>
    %dma_wait3A_577 = tpu.memref_squeeze %dma_wait3A_576 : memref<1x!tpu.dma_semaphore, #tpu.memory_space<semaphore_mem>> -> memref<!tpu.dma_semaphore, #tpu.memory_space<semaphore_mem>>
    tpu.wait_indirect_dma semaphore(%dma_wait3A_577 : memref<!tpu.dma_semaphore, #tpu.memory_space<semaphore_mem>>) src(%dma_wait3A_575 : memref<1000000xf32, #tpu.memory_space<hbm>>) dst(%dma_wait3A_570 : memref<128xf32, #tpu.memory_space<vmem>>)
    %add3A_578 = arith.constant 0 : i32
    %add3A_579 = arith.addi %mul3A_2, %add3A_578 : i32
    %run_scoped3A = arith.constant 0 : i32
    "tpu.region"() ({
      %run_scoped3A_628 = tpu.sem_alloc : memref<!tpu.dma_semaphore, #tpu.memory_space<semaphore_mem>>
      %dma_start3A_629 = arith.constant 0 : i32
      %dma_start3A_630 = tpu.memref_slice %arg7[%run_scoped3A, %dma_start3A_629] : memref<4x128xf32, #tpu.memory_space<vmem>> -> memref<1x128xf32, #tpu.memory_space<vmem>>
      %dma_start3A_631 = tpu.memref_squeeze %dma_start3A_630 : memref<1x128xf32, #tpu.memory_space<vmem>> -> memref<128xf32, #tpu.memory_space<vmem>>
      %dma_start3A_632 = tpu.memref_slice %arg4[%add3A_579] : memref<16384xf32, #tpu.memory_space<hbm>> -> memref<128xf32, #tpu.memory_space<hbm>>
      %dma_start3A_633 = tpu.memref_slice %arg4[%add3A_579] : memref<16384xf32, #tpu.memory_space<hbm>> -> memref<128xf32, #tpu.memory_space<hbm>>
      %dma_start3A_634 = arith.constant 0 : i32
      %dma_start3A_635 = tpu.memref_slice %arg7[%run_scoped3A, %dma_start3A_634] : memref<4x128xf32, #tpu.memory_space<vmem>> -> memref<1x128xf32, #tpu.memory_space<vmem>>
      %dma_start3A_636 = tpu.memref_squeeze %dma_start3A_635 : memref<1x128xf32, #tpu.memory_space<vmem>> -> memref<128xf32, #tpu.memory_space<vmem>>
      tpu.enqueue_dma source(%dma_start3A_636 : memref<128xf32, #tpu.memory_space<vmem>>) target(%dma_start3A_633 : memref<128xf32, #tpu.memory_space<hbm>>) target_semaphore(%run_scoped3A_628 : memref<!tpu.dma_semaphore, #tpu.memory_space<semaphore_mem>>)
      %dma_wait3A_637 = arith.constant 0 : i32
      %dma_wait3A_638 = tpu.memref_slice %arg7[%run_scoped3A, %dma_wait3A_637] : memref<4x128xf32, #tpu.memory_space<vmem>> -> memref<1x128xf32, #tpu.memory_space<vmem>>
      %dma_wait3A_639 = tpu.memref_squeeze %dma_wait3A_638 : memref<1x128xf32, #tpu.memory_space<vmem>> -> memref<128xf32, #tpu.memory_space<vmem>>
      %dma_wait3A_640 = tpu.memref_slice %arg4[%add3A_579] : memref<16384xf32, #tpu.memory_space<hbm>> -> memref<128xf32, #tpu.memory_space<hbm>>
      %dma_wait3A_641 = tpu.memref_slice %arg4[%add3A_579] : memref<16384xf32, #tpu.memory_space<hbm>> -> memref<128xf32, #tpu.memory_space<hbm>>
      %dma_wait3A_642 = arith.constant 0 : i32
      %dma_wait3A_643 = tpu.memref_slice %arg7[%run_scoped3A, %dma_wait3A_642] : memref<4x128xf32, #tpu.memory_space<vmem>> -> memref<1x128xf32, #tpu.memory_space<vmem>>
      %dma_wait3A_644 = tpu.memref_squeeze %dma_wait3A_643 : memref<1x128xf32, #tpu.memory_space<vmem>> -> memref<128xf32, #tpu.memory_space<vmem>>
      tpu.wait_dma2 semaphore(%run_scoped3A_628 : memref<!tpu.dma_semaphore, #tpu.memory_space<semaphore_mem>>) src(%dma_wait3A_644 : memref<128xf32, #tpu.memory_space<vmem>>) dst(%dma_wait3A_641 : memref<128xf32, #tpu.memory_space<hbm>>)
      tpu.yield
    }) : () -> ()
    %dma_wait3A_580 = arith.constant 1 : i32
    %dma_wait3A_581 = arith.constant 1 : i32
    %dma_wait3A_582 = arith.constant 1 : i32
    %dma_wait3A_583 = arith.constant 0 : i32
    %dma_wait3A_584 = tpu.memref_slice %arg7[%dma_wait3A_581, %dma_wait3A_583] : memref<4x128xf32, #tpu.memory_space<vmem>> -> memref<1x128xf32, #tpu.memory_space<vmem>>
    %dma_wait3A_585 = tpu.memref_squeeze %dma_wait3A_584 : memref<1x128xf32, #tpu.memory_space<vmem>> -> memref<128xf32, #tpu.memory_space<vmem>>
    %dma_wait3A_586 = arith.constant 0 : i32
    %dma_wait3A_587 = tpu.memref_slice %arg6[%dma_wait3A_580, %dma_wait3A_586] : memref<4x128xi32, #tpu.memory_space<vmem>> -> memref<1x128xi32, #tpu.memory_space<vmem>>
    %dma_wait3A_588 = tpu.memref_squeeze %dma_wait3A_587 : memref<1x128xi32, #tpu.memory_space<vmem>> -> memref<128xi32, #tpu.memory_space<vmem>>
    %dma_wait3A_589 = arith.constant 0 : i32
    %dma_wait3A_590 = tpu.memref_slice %arg3[%dma_wait3A_589] : memref<1000000xf32, #tpu.memory_space<hbm>> -> memref<1000000xf32, #tpu.memory_space<hbm>>
    %dma_wait3A_591 = tpu.memref_slice %arg8[%dma_wait3A_582] : memref<4x!tpu.dma_semaphore, #tpu.memory_space<semaphore_mem>> -> memref<1x!tpu.dma_semaphore, #tpu.memory_space<semaphore_mem>>
    %dma_wait3A_592 = tpu.memref_squeeze %dma_wait3A_591 : memref<1x!tpu.dma_semaphore, #tpu.memory_space<semaphore_mem>> -> memref<!tpu.dma_semaphore, #tpu.memory_space<semaphore_mem>>
    tpu.wait_indirect_dma semaphore(%dma_wait3A_592 : memref<!tpu.dma_semaphore, #tpu.memory_space<semaphore_mem>>) src(%dma_wait3A_590 : memref<1000000xf32, #tpu.memory_space<hbm>>) dst(%dma_wait3A_585 : memref<128xf32, #tpu.memory_space<vmem>>)
    %add3A_593 = arith.constant 128 : i32
    %add3A_594 = arith.addi %mul3A_2, %add3A_593 : i32
    %run_scoped3A_595 = arith.constant 1 : i32
    "tpu.region"() ({
      %run_scoped3A_628 = tpu.sem_alloc : memref<!tpu.dma_semaphore, #tpu.memory_space<semaphore_mem>>
      %dma_start3A_629 = arith.constant 0 : i32
      %dma_start3A_630 = tpu.memref_slice %arg7[%run_scoped3A_595, %dma_start3A_629] : memref<4x128xf32, #tpu.memory_space<vmem>> -> memref<1x128xf32, #tpu.memory_space<vmem>>
      %dma_start3A_631 = tpu.memref_squeeze %dma_start3A_630 : memref<1x128xf32, #tpu.memory_space<vmem>> -> memref<128xf32, #tpu.memory_space<vmem>>
      %dma_start3A_632 = tpu.memref_slice %arg4[%add3A_594] : memref<16384xf32, #tpu.memory_space<hbm>> -> memref<128xf32, #tpu.memory_space<hbm>>
      %dma_start3A_633 = tpu.memref_slice %arg4[%add3A_594] : memref<16384xf32, #tpu.memory_space<hbm>> -> memref<128xf32, #tpu.memory_space<hbm>>
      %dma_start3A_634 = arith.constant 0 : i32
      %dma_start3A_635 = tpu.memref_slice %arg7[%run_scoped3A_595, %dma_start3A_634] : memref<4x128xf32, #tpu.memory_space<vmem>> -> memref<1x128xf32, #tpu.memory_space<vmem>>
      %dma_start3A_636 = tpu.memref_squeeze %dma_start3A_635 : memref<1x128xf32, #tpu.memory_space<vmem>> -> memref<128xf32, #tpu.memory_space<vmem>>
      tpu.enqueue_dma source(%dma_start3A_636 : memref<128xf32, #tpu.memory_space<vmem>>) target(%dma_start3A_633 : memref<128xf32, #tpu.memory_space<hbm>>) target_semaphore(%run_scoped3A_628 : memref<!tpu.dma_semaphore, #tpu.memory_space<semaphore_mem>>)
      %dma_wait3A_637 = arith.constant 0 : i32
      %dma_wait3A_638 = tpu.memref_slice %arg7[%run_scoped3A_595, %dma_wait3A_637] : memref<4x128xf32, #tpu.memory_space<vmem>> -> memref<1x128xf32, #tpu.memory_space<vmem>>
      %dma_wait3A_639 = tpu.memref_squeeze %dma_wait3A_638 : memref<1x128xf32, #tpu.memory_space<vmem>> -> memref<128xf32, #tpu.memory_space<vmem>>
      %dma_wait3A_640 = tpu.memref_slice %arg4[%add3A_594] : memref<16384xf32, #tpu.memory_space<hbm>> -> memref<128xf32, #tpu.memory_space<hbm>>
      %dma_wait3A_641 = tpu.memref_slice %arg4[%add3A_594] : memref<16384xf32, #tpu.memory_space<hbm>> -> memref<128xf32, #tpu.memory_space<hbm>>
      %dma_wait3A_642 = arith.constant 0 : i32
      %dma_wait3A_643 = tpu.memref_slice %arg7[%run_scoped3A_595, %dma_wait3A_642] : memref<4x128xf32, #tpu.memory_space<vmem>> -> memref<1x128xf32, #tpu.memory_space<vmem>>
      %dma_wait3A_644 = tpu.memref_squeeze %dma_wait3A_643 : memref<1x128xf32, #tpu.memory_space<vmem>> -> memref<128xf32, #tpu.memory_space<vmem>>
      tpu.wait_dma2 semaphore(%run_scoped3A_628 : memref<!tpu.dma_semaphore, #tpu.memory_space<semaphore_mem>>) src(%dma_wait3A_644 : memref<128xf32, #tpu.memory_space<vmem>>) dst(%dma_wait3A_641 : memref<128xf32, #tpu.memory_space<hbm>>)
      tpu.yield
    }) : () -> ()
    %dma_wait3A_596 = arith.constant 2 : i32
    %dma_wait3A_597 = arith.constant 2 : i32
    %dma_wait3A_598 = arith.constant 2 : i32
    %dma_wait3A_599 = arith.constant 0 : i32
    %dma_wait3A_600 = tpu.memref_slice %arg7[%dma_wait3A_597, %dma_wait3A_599] : memref<4x128xf32, #tpu.memory_space<vmem>> -> memref<1x128xf32, #tpu.memory_space<vmem>>
    %dma_wait3A_601 = tpu.memref_squeeze %dma_wait3A_600 : memref<1x128xf32, #tpu.memory_space<vmem>> -> memref<128xf32, #tpu.memory_space<vmem>>
    %dma_wait3A_602 = arith.constant 0 : i32
    %dma_wait3A_603 = tpu.memref_slice %arg6[%dma_wait3A_596, %dma_wait3A_602] : memref<4x128xi32, #tpu.memory_space<vmem>> -> memref<1x128xi32, #tpu.memory_space<vmem>>
    %dma_wait3A_604 = tpu.memref_squeeze %dma_wait3A_603 : memref<1x128xi32, #tpu.memory_space<vmem>> -> memref<128xi32, #tpu.memory_space<vmem>>
    %dma_wait3A_605 = arith.constant 0 : i32
    %dma_wait3A_606 = tpu.memref_slice %arg3[%dma_wait3A_605] : memref<1000000xf32, #tpu.memory_space<hbm>> -> memref<1000000xf32, #tpu.memory_space<hbm>>
    %dma_wait3A_607 = tpu.memref_slice %arg8[%dma_wait3A_598] : memref<4x!tpu.dma_semaphore, #tpu.memory_space<semaphore_mem>> -> memref<1x!tpu.dma_semaphore, #tpu.memory_space<semaphore_mem>>
    %dma_wait3A_608 = tpu.memref_squeeze %dma_wait3A_607 : memref<1x!tpu.dma_semaphore, #tpu.memory_space<semaphore_mem>> -> memref<!tpu.dma_semaphore, #tpu.memory_space<semaphore_mem>>
    tpu.wait_indirect_dma semaphore(%dma_wait3A_608 : memref<!tpu.dma_semaphore, #tpu.memory_space<semaphore_mem>>) src(%dma_wait3A_606 : memref<1000000xf32, #tpu.memory_space<hbm>>) dst(%dma_wait3A_601 : memref<128xf32, #tpu.memory_space<vmem>>)
    %add3A_609 = arith.constant 256 : i32
    %add3A_610 = arith.addi %mul3A_2, %add3A_609 : i32
    %run_scoped3A_611 = arith.constant 2 : i32
    "tpu.region"() ({
      %run_scoped3A_628 = tpu.sem_alloc : memref<!tpu.dma_semaphore, #tpu.memory_space<semaphore_mem>>
      %dma_start3A_629 = arith.constant 0 : i32
      %dma_start3A_630 = tpu.memref_slice %arg7[%run_scoped3A_611, %dma_start3A_629] : memref<4x128xf32, #tpu.memory_space<vmem>> -> memref<1x128xf32, #tpu.memory_space<vmem>>
      %dma_start3A_631 = tpu.memref_squeeze %dma_start3A_630 : memref<1x128xf32, #tpu.memory_space<vmem>> -> memref<128xf32, #tpu.memory_space<vmem>>
      %dma_start3A_632 = tpu.memref_slice %arg4[%add3A_610] : memref<16384xf32, #tpu.memory_space<hbm>> -> memref<128xf32, #tpu.memory_space<hbm>>
      %dma_start3A_633 = tpu.memref_slice %arg4[%add3A_610] : memref<16384xf32, #tpu.memory_space<hbm>> -> memref<128xf32, #tpu.memory_space<hbm>>
      %dma_start3A_634 = arith.constant 0 : i32
      %dma_start3A_635 = tpu.memref_slice %arg7[%run_scoped3A_611, %dma_start3A_634] : memref<4x128xf32, #tpu.memory_space<vmem>> -> memref<1x128xf32, #tpu.memory_space<vmem>>
      %dma_start3A_636 = tpu.memref_squeeze %dma_start3A_635 : memref<1x128xf32, #tpu.memory_space<vmem>> -> memref<128xf32, #tpu.memory_space<vmem>>
      tpu.enqueue_dma source(%dma_start3A_636 : memref<128xf32, #tpu.memory_space<vmem>>) target(%dma_start3A_633 : memref<128xf32, #tpu.memory_space<hbm>>) target_semaphore(%run_scoped3A_628 : memref<!tpu.dma_semaphore, #tpu.memory_space<semaphore_mem>>)
      %dma_wait3A_637 = arith.constant 0 : i32
      %dma_wait3A_638 = tpu.memref_slice %arg7[%run_scoped3A_611, %dma_wait3A_637] : memref<4x128xf32, #tpu.memory_space<vmem>> -> memref<1x128xf32, #tpu.memory_space<vmem>>
      %dma_wait3A_639 = tpu.memref_squeeze %dma_wait3A_638 : memref<1x128xf32, #tpu.memory_space<vmem>> -> memref<128xf32, #tpu.memory_space<vmem>>
      %dma_wait3A_640 = tpu.memref_slice %arg4[%add3A_610] : memref<16384xf32, #tpu.memory_space<hbm>> -> memref<128xf32, #tpu.memory_space<hbm>>
      %dma_wait3A_641 = tpu.memref_slice %arg4[%add3A_610] : memref<16384xf32, #tpu.memory_space<hbm>> -> memref<128xf32, #tpu.memory_space<hbm>>
      %dma_wait3A_642 = arith.constant 0 : i32
      %dma_wait3A_643 = tpu.memref_slice %arg7[%run_scoped3A_611, %dma_wait3A_642] : memref<4x128xf32, #tpu.memory_space<vmem>> -> memref<1x128xf32, #tpu.memory_space<vmem>>
      %dma_wait3A_644 = tpu.memref_squeeze %dma_wait3A_643 : memref<1x128xf32, #tpu.memory_space<vmem>> -> memref<128xf32, #tpu.memory_space<vmem>>
      tpu.wait_dma2 semaphore(%run_scoped3A_628 : memref<!tpu.dma_semaphore, #tpu.memory_space<semaphore_mem>>) src(%dma_wait3A_644 : memref<128xf32, #tpu.memory_space<vmem>>) dst(%dma_wait3A_641 : memref<128xf32, #tpu.memory_space<hbm>>)
      tpu.yield
    }) : () -> ()
    %dma_wait3A_612 = arith.constant 3 : i32
    %dma_wait3A_613 = arith.constant 3 : i32
    %dma_wait3A_614 = arith.constant 3 : i32
    %dma_wait3A_615 = arith.constant 0 : i32
    %dma_wait3A_616 = tpu.memref_slice %arg7[%dma_wait3A_613, %dma_wait3A_615] : memref<4x128xf32, #tpu.memory_space<vmem>> -> memref<1x128xf32, #tpu.memory_space<vmem>>
    %dma_wait3A_617 = tpu.memref_squeeze %dma_wait3A_616 : memref<1x128xf32, #tpu.memory_space<vmem>> -> memref<128xf32, #tpu.memory_space<vmem>>
    %dma_wait3A_618 = arith.constant 0 : i32
    %dma_wait3A_619 = tpu.memref_slice %arg6[%dma_wait3A_612, %dma_wait3A_618] : memref<4x128xi32, #tpu.memory_space<vmem>> -> memref<1x128xi32, #tpu.memory_space<vmem>>
    %dma_wait3A_620 = tpu.memref_squeeze %dma_wait3A_619 : memref<1x128xi32, #tpu.memory_space<vmem>> -> memref<128xi32, #tpu.memory_space<vmem>>
    %dma_wait3A_621 = arith.constant 0 : i32
    %dma_wait3A_622 = tpu.memref_slice %arg3[%dma_wait3A_621] : memref<1000000xf32, #tpu.memory_space<hbm>> -> memref<1000000xf32, #tpu.memory_space<hbm>>
    %dma_wait3A_623 = tpu.memref_slice %arg8[%dma_wait3A_614] : memref<4x!tpu.dma_semaphore, #tpu.memory_space<semaphore_mem>> -> memref<1x!tpu.dma_semaphore, #tpu.memory_space<semaphore_mem>>
    %dma_wait3A_624 = tpu.memref_squeeze %dma_wait3A_623 : memref<1x!tpu.dma_semaphore, #tpu.memory_space<semaphore_mem>> -> memref<!tpu.dma_semaphore, #tpu.memory_space<semaphore_mem>>
    tpu.wait_indirect_dma semaphore(%dma_wait3A_624 : memref<!tpu.dma_semaphore, #tpu.memory_space<semaphore_mem>>) src(%dma_wait3A_622 : memref<1000000xf32, #tpu.memory_space<hbm>>) dst(%dma_wait3A_617 : memref<128xf32, #tpu.memory_space<vmem>>)
    %add3A_625 = arith.constant 384 : i32
    %add3A_626 = arith.addi %mul3A_2, %add3A_625 : i32
    %run_scoped3A_627 = arith.constant 3 : i32
    "tpu.region"() ({
      %run_scoped3A_628 = tpu.sem_alloc : memref<!tpu.dma_semaphore, #tpu.memory_space<semaphore_mem>>
      %dma_start3A_629 = arith.constant 0 : i32
      %dma_start3A_630 = tpu.memref_slice %arg7[%run_scoped3A_627, %dma_start3A_629] : memref<4x128xf32, #tpu.memory_space<vmem>> -> memref<1x128xf32, #tpu.memory_space<vmem>>
      %dma_start3A_631 = tpu.memref_squeeze %dma_start3A_630 : memref<1x128xf32, #tpu.memory_space<vmem>> -> memref<128xf32, #tpu.memory_space<vmem>>
      %dma_start3A_632 = tpu.memref_slice %arg4[%add3A_626] : memref<16384xf32, #tpu.memory_space<hbm>> -> memref<128xf32, #tpu.memory_space<hbm>>
      %dma_start3A_633 = tpu.memref_slice %arg4[%add3A_626] : memref<16384xf32, #tpu.memory_space<hbm>> -> memref<128xf32, #tpu.memory_space<hbm>>
      %dma_start3A_634 = arith.constant 0 : i32
      %dma_start3A_635 = tpu.memref_slice %arg7[%run_scoped3A_627, %dma_start3A_634] : memref<4x128xf32, #tpu.memory_space<vmem>> -> memref<1x128xf32, #tpu.memory_space<vmem>>
      %dma_start3A_636 = tpu.memref_squeeze %dma_start3A_635 : memref<1x128xf32, #tpu.memory_space<vmem>> -> memref<128xf32, #tpu.memory_space<vmem>>
      tpu.enqueue_dma source(%dma_start3A_636 : memref<128xf32, #tpu.memory_space<vmem>>) target(%dma_start3A_633 : memref<128xf32, #tpu.memory_space<hbm>>) target_semaphore(%run_scoped3A_628 : memref<!tpu.dma_semaphore, #tpu.memory_space<semaphore_mem>>)
      %dma_wait3A_637 = arith.constant 0 : i32
      %dma_wait3A_638 = tpu.memref_slice %arg7[%run_scoped3A_627, %dma_wait3A_637] : memref<4x128xf32, #tpu.memory_space<vmem>> -> memref<1x128xf32, #tpu.memory_space<vmem>>
      %dma_wait3A_639 = tpu.memref_squeeze %dma_wait3A_638 : memref<1x128xf32, #tpu.memory_space<vmem>> -> memref<128xf32, #tpu.memory_space<vmem>>
      %dma_wait3A_640 = tpu.memref_slice %arg4[%add3A_626] : memref<16384xf32, #tpu.memory_space<hbm>> -> memref<128xf32, #tpu.memory_space<hbm>>
      %dma_wait3A_641 = tpu.memref_slice %arg4[%add3A_626] : memref<16384xf32, #tpu.memory_space<hbm>> -> memref<128xf32, #tpu.memory_space<hbm>>
      %dma_wait3A_642 = arith.constant 0 : i32
      %dma_wait3A_643 = tpu.memref_slice %arg7[%run_scoped3A_627, %dma_wait3A_642] : memref<4x128xf32, #tpu.memory_space<vmem>> -> memref<1x128xf32, #tpu.memory_space<vmem>>
      %dma_wait3A_644 = tpu.memref_squeeze %dma_wait3A_643 : memref<1x128xf32, #tpu.memory_space<vmem>> -> memref<128xf32, #tpu.memory_space<vmem>>
      tpu.wait_dma2 semaphore(%run_scoped3A_628 : memref<!tpu.dma_semaphore, #tpu.memory_space<semaphore_mem>>) src(%dma_wait3A_644 : memref<128xf32, #tpu.memory_space<vmem>>) dst(%dma_wait3A_641 : memref<128xf32, #tpu.memory_space<hbm>>)
      tpu.yield
    }) : () -> ()
    return
  }
}

</mosaic_0001>

<sc_bundles>
// kernel: kernel.3.cloned.1.call-start
scs
__scs_entry_jumppad:
0x0: {  	(pc) =	sbr.rel $0x88, $3  }
0x1: {  	(tag) =	ssettag $0x0;
	lr =	simm.s32 $0x1  }
0x2: {  	[smem:$0x3F9F] =	sst lr;
	_ =	strace $0xD0000000  }
0x3: {  	_ = 	snop  }
0x4: {  	_ = 	snop  }
0x5: {  	_ = 	snop  }
0x6: {  	_ = 	snop  }
0x7: {  	_ = 	snop  }
__scs_overlays_trampoline_lowered:
0x8: {  	[smem:$0x3FAE] =	sst s0  }
0x9: {  	[smem:$0x3FAF] =	sst s1  }
0xa: {  	[smem:$0x3FB0] =	sst s2  }
0xb: {  	[smem:$0x3FB1] =	sst s3  }
0xc: {  	[smem:$0x3FB2] =	sst s4  }
0xd: {  	[smem:$0x3FB3] =	sst s5  }
0xe: {  	[smem:$0x3FB4] =	sst s6  }
0xf: {  	[smem:$0x3FB5] =	sst s7  }
0x10: {  	[smem:$0x3FB6] =	sst s8  }
0x11: {  	[smem:$0x3FB7] =	sst s9;
	s0 =	simm.s32 @!p0 $0x0  }
0x12: {  	s1 =	sld [smem:$0x3F9D];
	s0 =	simm.s32 @p0 $0x1  }
0x13: {  	[smem:$0x3FB8] =	sst s0;
	s0 =	simm.s32 @!p1 $0x0  }
0x14: {  	s2 =	sld [smem:$0x3F9C];
	s0 =	simm.s32 @p1 $0x1  }
0x15: {  	[smem:$0x3FB9] =	sst s0;
	s0 =	simm.s32 @!p2 $0x0  }
0x16: {  	s3 =	sld [smem:$0x3FDB];
	s0 =	simm.s32 @p2 $0x1  }
0x17: {  	s4 =	simm.s32 $0x1BF5;
	[smem:$0x3FBB] =	sst s0  }
0x18: {  	s0 =	sld [smem:$0x3F9E];
	_ =	swait.ge [sflag:s4], $0x0  }
0x19: {  	s7 =	sld [smem:$0x3F9F]  }
0x1a: {  	s8 =	sadd.s32 $0xFFFFE003, lr  }
0x1b: {  	s9 =	sadd.s32 $0xFFFFFEF7, lr;
	s5 =	simm.s32 $0xFFFFFFFF;
	p2 =	slt.u32 s8, $0xFFFFF086  }
0x1c: {  	p1 =	slt.u32 s9, $0xF7A;
	s5 =	simm.s32 @!p2 $0x0  }
0x1d: {  	s5 =	simm.s32 @p1 $0x1;
	p0 =	seq.s32 s7, s2  }
0x1e: {  	s7 =	smul.u32 @!p0 $0xF7A, s2;
	p2 =	seq.s32 @!p0 s5, $0x0  }
0x1f: {  	s9 =	smul.u32 $0xF7A, s1;
	s8 =	simm.s32 @!p0 $0x1BF5;
	p2 =	por !p2, p0  }
0x20: {  	[sflag:s8] =	ssyncset.s32 @!p0 $0xFFFFF086;
	s6 =	sadd.s32 @!p0 s3, s7;
	s7 =	simm.s32 @!p0 $0x108  }
0x21: {  	s3 =	sadd.s32 s3, s9;
	s6 =	sadd.s32 @!p0 $0x88, s6;
	s7 =	simm.s32 @p2 $0x1082  }
0x22: {  	[simem:s7], [sflag:s8] =	dma.local @!p0 [hbm:s6], $0xF7A  }
0x23: {  	s9 =	sor.u32 $0xD0000000, s2;
	s6 =	simm.s32 $0x108;
	_ =	swait.ge @!p0 [sflag:s8], $0x0  }
0x24: {  	s3 =	sadd.s32 $0x88, s3;
	s6 =	simm.s32 @!p1 $0x1082;
	[sflag:s4] =	ssyncset.s32 $0xFFFFF086  }
0x25: {  	[simem:s6], [sflag:s4] =	dma.local [hbm:s3], $0xF7A  }
0x26: {  	[smem:$0x3F9F] =	sst s1;
	(tag) =	ssettag s2;
	_ =	strace s9  }
0x27: {  	s1 =	sld [smem:$0x3FAF]  }
0x28: {  	s2 =	sld [smem:$0x3FB0]  }
0x29: {  	s4 =	sld [smem:$0x3FB2]  }
0x2a: {  	p0 =	seq.s32 s5, $0x0;
	s5 =	sld [smem:$0x3FB3]  }
0x2b: {  	s6 =	sld [smem:$0x3FB4]  }
0x2c: {  	s7 =	sld [smem:$0x3FB5]  }
0x2d: {  	s3 =	simm.s32 $0x108;
	s8 =	sld [smem:$0x3FB6]  }
0x2e: {  	s3 =	simm.s32 @!p0 $0x1082;
	s9 =	sld [smem:$0x3FB7]  }
0x2f: {  	lr =	sadd.s32 s0, s3;
	s0 =	sld [smem:$0x3FAE]  }
0x30: {  	s3 =	sld [smem:$0x3FB1]  }
0x31: {  	[smem:$0x3FBA] =	sst s10  }
0x32: {  	s10 =	sld [smem:$0x3FB8];
	_ =	sdelay $0x3  }
0x33: {  	p0 =	seq.s32 s10, $0x1;
	s10 =	sld [smem:$0x3FBA];
	_ =	sdelay $0x3  }
0x34: {  	[smem:$0x3FBA] =	sst s10  }
0x35: {  	s10 =	sld [smem:$0x3FB9];
	_ =	sdelay $0x3  }
0x36: {  	p1 =	seq.s32 s10, $0x1;
	s10 =	sld [smem:$0x3FBA];
	_ =	sdelay $0x3  }
0x37: {  	[smem:$0x3FBA] =	sst s10  }
0x38: {  	s10 =	sld [smem:$0x3FBB]  }
0x39: {  	_ = 	snop;
	(pc) =	sbr.ind lr, $3  }
0x3a: {  	_ = 	snop  }
0x3b: {  	_ = 	snop  }
0x3c: {  	p2 =	seq.s32 s10, $0x1;
	s10 =	sld [smem:$0x3FBA]  }
0x3d: {  	_ =	shalt  }
0x3e: {  	_ =	shalt  }
0x3f: {  	_ =	shalt  }
0x40: {  	_ =	shalt  }
0x41: {  	_ =	shalt  }
0x42: {  	_ =	shalt  }
0x43: {  	_ =	shalt  }
0x44: {  	_ =	shalt  }
0x45: {  	_ =	shalt  }
0x46: {  	_ =	shalt  }
0x47: {  	_ =	shalt  }
0x48: {  	_ =	shalt  }
0x49: {  	_ =	shalt  }
0x4a: {  	_ =	shalt  }
0x4b: {  	_ =	shalt  }
0x4c: {  	_ =	shalt  }
0x4d: {  	_ =	shalt  }
0x4e: {  	_ =	shalt  }
0x4f: {  	_ =	shalt  }
0x50: {  	_ =	shalt  }
0x51: {  	_ =	shalt  }
0x52: {  	_ =	shalt  }
0x53: {  	_ =	shalt  }
0x54: {  	_ =	shalt  }
0x55: {  	_ =	shalt  }
0x56: {  	_ =	shalt  }
0x57: {  	_ =	shalt  }
0x58: {  	_ =	shalt  }
0x59: {  	_ =	shalt  }
0x5a: {  	_ =	shalt  }
0x5b: {  	_ =	shalt  }
0x5c: {  	_ =	shalt  }
0x5d: {  	_ =	shalt  }
0x5e: {  	_ =	shalt  }
0x5f: {  	_ =	shalt  }
0x60: {  	_ =	shalt  }
0x61: {  	_ =	shalt  }
0x62: {  	_ =	shalt  }
0x63: {  	_ =	shalt  }
0x64: {  	_ =	shalt  }
0x65: {  	_ =	shalt  }
0x66: {  	_ =	shalt  }
0x67: {  	_ =	shalt  }
0x68: {  	_ =	shalt  }
0x69: {  	_ =	shalt  }
0x6a: {  	_ =	shalt  }
0x6b: {  	_ =	shalt  }
0x6c: {  	_ =	shalt  }
0x6d: {  	_ =	shalt  }
0x6e: {  	_ =	shalt  }
0x6f: {  	_ =	shalt  }
0x70: {  	_ =	shalt  }
0x71: {  	_ =	shalt  }
0x72: {  	_ =	shalt  }
0x73: {  	_ =	shalt  }
0x74: {  	_ =	shalt  }
0x75: {  	_ =	shalt  }
0x76: {  	_ =	shalt  }
0x77: {  	_ =	shalt  }
0x78: {  	_ =	shalt  }
0x79: {  	_ =	shalt  }
0x7a: {  	_ =	shalt  }
0x7b: {  	_ =	shalt  }
0x7c: {  	_ =	shalt  }
0x7d: {  	_ =	shalt  }
0x7e: {  	_ =	shalt  }
0x7f: {  	_ =	shalt  }
0x80: {  	_ =	shalt  }
0x81: {  	_ =	shalt  }
0x82: {  	_ =	shalt  }
0x83: {  	_ =	shalt  }
0x84: {  	_ =	shalt  }
0x85: {  	_ =	shalt  }
0x86: {  	_ =	shalt  }
0x87: {  	_ =	shalt  }
.Lfunc_end0:
.L_simem_size_0:
called_computation_lowered:
.L_overlay_start_0:
0x88: {  	s2 =	sld [smem:$0x3FD9]  }
0x89: {  	s3 =	sld [smem:$0x3FFE];
	_ =	sdelay $0x1  }
0x8a: {  	s1 =	srdreg.scid  }
0x8b: {  	s0 =	sand.u32 $0x1, s1  }
0x8c: {  	s17 =	sshll.u32 s0, $0xA;
	s2 =	sadd.s32 s3, s2  }
0x8d: {  	s2 =	sadd.s32 s2, s17  }
0x8e: {  	[smem:$0x3FC6] =	sst s2  }
0x8f: {  	_ = 	snop  }
0x90: {  	s2 =	sld [smem:$0x3FC9]  }
0x91: {  	s18 =	sld [smem:$0x3FD0];
	(tm) =	ssettm $0x1  }
0x92: {  	s4 =	sld [smem:$0x3FFB];
	_ =	sdelay $0x3  }
0x93: {  	_ =	strace s4  }
0x94: {  	s4 =	sld [smem:$0x3FFC];
	_ =	sdelay $0x3  }
0x95: {  	_ =	strace s4  }
0x96: {  	s4 =	sld [smem:$0x3FFD];
	_ =	sdelay $0x3  }
0x97: {  	_ =	strace s4  }
0x98: {  	_ =	strace $0x8FFFFFFF  }
0x99: {  	s19 =	sld [smem:$0x3FDB];
	_ =	sdelay $0x1  }
0x9a: {  	s5 =	simm.s32 $_scs_section_size  }
0x9b: {  	s6 =	simm.s32 $_size__tile_overlayer_lowered;
	s7 =	simm.s32 $_tile_overlayer_lowered  }
0x9c: {  	s22 =	simm.s32 $0x1BFF;
	s21 =	sshll.u32 s7, $0x1;
	s4 =	sadd.s32 s5, s19  }
0x9d: {  	s8 =	simm.s32 $0x0;
	s20 =	sshll.u32 s6, $0x1;
	s6 =	sadd.s32 s21, s4  }
0x9e: {  	[timem:s8], [sflag:s22] =	dma.local [hbm:s6], s20  }
0x9f: {  	_ =	swait.ge [sflag:s22], s20  }
0xa0: {  	s5 =	ssub.s32 $0x0, s20;
	[sflag:s22] =	ssyncset.done $0x0  }
0xa1: {  	[sflag:s22] =	ssyncadd.s32 s5;
	_ =	sdelay $0x1  }
0xa2: {  	s23 =	simm.s32 $0x1B8B  }
0xa3: {  	_ =	swait.ge [sflag:s23], $0x1  }
0xa4: {  	[sflag:s23] =	ssyncset.done $0x0  }
0xa5: {  	s25 =	simm.s32 $0x1B8E;
	s24 =	sld [smem:$0x3FFE];
	[sflag:s23] =	ssyncadd.s32 $0xFFFFFFFF  }
0xa6: {  	s26 =	simm.s32 $execute0_lowered;
	[smem:$0x3FD2] =	sst s25  }
0xa7: {  	s6 =	sshll.u32 s26, $0x1;
	_ =	strace $0x80000046;
	[dreg:$0x1] =	wrdreg $0xFFFFFFFF  }
0xa8: {  	s28 =	simm.s32 $_size_execute0_lowered;
	s4 =	sadd.s32 s4, s6;
	[dreg:$0x0] =	wrdreg $0x0  }
0xa9: {  	s6 =	sshll.u32 s28, $0x1;
	[dreg:$0x2] =	wrdreg s4  }
0xaa: {  	[dreg:$0x3] =	wrdreg s6  }
0xab: {  	[dreg:$0x4] =	wrdreg $0xC0  }
0xac: {  	_ =	task [dreg:s8], $0x5FFFF  }
0xad: {  	[dreg:$0x1] =	wrdreg $0xFFFFFFFF  }
0xae: {  	[dreg:$0x0] =	wrdreg $0x60  }
0xaf: {  	[dreg:$0x2] =	wrdreg s2  }
0xb0: {  	[dreg:$0x3] =	wrdreg s24  }
0xb1: {  	[dreg:$0x4] =	wrdreg s18  }
0xb2: {  	[dreg:$0x5] =	wrdreg $0x9  }
0xb3: {  	_ =	task.clear_ibuf [dreg:s8], $0x6FFFF;
	_ =	strace $0x90000046  }
0xb4: {  	s29 =	simm.s32 $0x9;
	_ =	strace $0x80000048  }
0xb5: {  	_ =	swait.ge [sflag:s29], $0x1  }
0xb6: {  	[sflag:s29] =	ssyncadd.s32 $0xFFFFFFFF  }
0xb7: {  	_ =	strace $0x90000048  }
0xb8: {  	_ =	sfence  }
0xb9: {  	s30 =	sld [smem:$0x0];
	_ =	sdelay $0x2  }
0xba: {  	s31 =	sshll.u32 s1, $0xD;
	s1 =	sshrl.u32 s1, $0x2  }
0xbb: {  	s3 =	sand.u32 $0x4000, s31;
	s1 =	sadd.s32 s1, s30  }
0xbc: {  	s0 =	sor.u32 s3, s0;
	s1 =	sshll.u32 s1, $0x11  }
0xbd: {  	s0 =	sor.u32 s1, s0  }
0xbe: {  	s0 =	sadd.s32 $0x8F2B, s0  }
0xbf: {  	[sflag:s0] =	ssyncadd.remote.s32 $0x1  }
0xc0: {  	_ =	sfence.sel $0xFFFF  }
0xc1: {  	[dreg:$0x0] =	wrdreg $0xFFFFFFFF;
	(pc) =	sbr.abs _section_cstart, $3  }
0xc2: {  	[dreg:$0x1] =	wrdreg $0xFFFFFFFF  }
0xc3: {  	_ =	task.clear_ibuf [dreg:s8], $0x2FFFF;
	_ =	strace $0x9FFFFFFF  }
0xc4: {  	(tm) =	ssettm $0x7FFFFFFF  }
0xc5: {  	_ =	shalt  }
tec
execute0_lowered:
.L_overlay_start_1:
0x0: {  	(tag) =	ssettag $0x1  }
0x1: {  	s4 =	rddreg [dreg:$0x0]  }
0x2: {  	s3 =	rddreg [dreg:$0x1]  }
0x3: {  	s5 =	rddreg [dreg:$0x2]  }
0x4: {  	s0 =	rddreg [dreg:$0x3];
	s2 =	simm.s32 $0x0  }
0x5: {  	s6 =	srdreg.scid;
	s1 =	stileid.u32;
	s11 =	simm.s32 $0x80  }
0x6: {  	s12 =	simm.s32 $0x400;
	s13 =	simm.s32 $0x600;
	s14 =	simm.s32 $0x480  }
0x7: {  	s15 =	simm.s32 $0x680;
	s16 =	simm.s32 $0x500;
	s17 =	simm.s32 $0x700  }
0x8: {  	s18 =	simm.s32 $0x580;
	s19 =	simm.s32 $0x780;
	s20 =	simm.s32 $0x1  }
0x9: {  	s21 =	simm.s32 $0x2;
	s22 =	simm.s32 $0x3;
	s23 =	simm.s32 $0x4  }
0xa: {  	[smem:$0x7FF] =	sst s2;
	s6 =	sand.u32 $0x1, s6;
	s7 =	sshll.u32 s1, $0x1  }
0xb: {  	s3 =	sadd.s32 $0x400, s3;
	s8 =	ssub.s32 $0x2, s6;
	s6 =	sor.u32 s6, s7  }
0xc: {  	s31 =	sshrl.u32 s8, $0x1;
	s9 =	sshll.u32 s6, $0x7;
	s6 =	sshll.u32 s6, $0x6  }
0xd: {  	_ =	strace $0x80000047;
	s10 =	ssub.s32 s8, s31;
	s5 =	sadd.s32 s5, s6  }
0xe: {  	s4 =	sadd.s32 s4, s9;
	s6 =	sadd.s32 $0x10, s5;
	s7 =	sadd.s32 $0x20, s5  }
0xf: {  	s8 =	sadd.s32 $0x30, s5;
	s9 =	smax.u32 s10, $0x1;
	s10 =	simm.s32 $0x5  }
.LBB2_1:
0x10: {  	[tilespmem:s2], [sflag:$0x5] =	stream.linear.gather [hbm4b:s4+s2], $0x400, $0x38;
	[tilespmem:$0x800] =	vst v63  }
0x11: {  	_ =	swait.ge [sflag:s10], $0x400  }
0x12: {  	[sflag:s10] =	ssyncset.done $0x0  }
0x13: {  	[sflag:s10] =	ssyncadd.s32 $0xFFFFFC00  }
0x14: {  	v0 =	vld [tilespmem:$0x0]  }
0x15: {  	v1 =	vld [tilespmem:$0x80]  }
0x16: {  	v2 =	vld [tilespmem:$0x10]  }
0x17: {  	v3 =	vld [tilespmem:$0x90]  }
0x18: {  	v4 =	vld [tilespmem:$0x20]  }
0x19: {  	v5 =	vld [tilespmem:$0xA0]  }
0x1a: {  	v6 =	vld [tilespmem:$0x30]  }
0x1b: {  	v7 =	vld [tilespmem:$0xB0]  }
0x1c: {  	v8 =	vld [tilespmem:$0x40]  }
0x1d: {  	v9 =	vld [tilespmem:$0xC0]  }
0x1e: {  	v10 =	vld [tilespmem:$0x50]  }
0x1f: {  	v11 =	vld [tilespmem:$0xD0];
	v0 =	vmul.u32 $0x3E8, v0  }
0x20: {  	v12 =	vld [tilespmem:$0x60];
	v2 =	vmul.u32 $0x3E8, v2  }
0x21: {  	v61 =	vld [tilespmem:$0x70];
	v60 =	vmul.u32 $0x3E8, v4;
	v0 =	vadd.s32 v1, v0  }
0x22: {  	v13 =	vld [tilespmem:$0xE0];
	v63 =	vmul.u32 $0x3E8, v6;
	v62 =	vadd.s32 v3, v2;
	[tilespmem:$0x400] =	vst v0  }
0x23: {  	v16 =	vld [tilespmem:$0xF0];
	v15 =	vmul.u32 $0x3E8, v8;
	v14 =	vadd.s32 v5, v60;
	[tilespmem:$0x410] =	vst v62  }
0x24: {  	v18 =	vmul.u32 $0x3E8, v10;
	v17 =	vadd.s32 v7, v63;
	[tilespmem:$0x420] =	vst v14  }
0x25: {  	v20 =	vmul.u32 $0x3E8, v12;
	v19 =	vadd.s32 v9, v15;
	[tilespmem:$0x430] =	vst v17  }
0x26: {  	v22 =	vmul.u32 $0x3E8, v61;
	v21 =	vadd.s32 v11, v18;
	[tilespmem:$0x440] =	vst v19  }
0x27: {  	v23 =	vadd.s32 v13, v20;
	[tilespmem:$0x450] =	vst v21  }
0x28: {  	v24 =	vadd.s32 v16, v22;
	[tilespmem:$0x460] =	vst v23  }
0x29: {  	[tilespmem:$0x470] =	vst v24  }
0x2a: {  	[tilespmem:s13], [sflag:$0x1] =	stream.indirect.gather [hbm4b:s3+s11], $0x1, s12, s11, $0xb8;
	[tilespmem:$0x800] =	vst v63  }
0x2b: {  	v25 =	vld [tilespmem:$0x100]  }
0x2c: {  	v26 =	vld [tilespmem:$0x180]  }
0x2d: {  	v27 =	vld [tilespmem:$0x110]  }
0x2e: {  	v28 =	vld [tilespmem:$0x190]  }
0x2f: {  	v29 =	vld [tilespmem:$0x120]  }
0x30: {  	v30 =	vld [tilespmem:$0x1A0]  }
0x31: {  	v31 =	vld [tilespmem:$0x130]  }
0x32: {  	v32 =	vld [tilespmem:$0x1B0]  }
0x33: {  	v33 =	vld [tilespmem:$0x140]  }
0x34: {  	v34 =	vld [tilespmem:$0x1C0]  }
0x35: {  	v35 =	vld [tilespmem:$0x150]  }
0x36: {  	v36 =	vld [tilespmem:$0x1D0];
	v0 =	vmul.u32 $0x3E8, v25  }
0x37: {  	v37 =	vld [tilespmem:$0x160];
	v2 =	vmul.u32 $0x3E8, v27  }
0x38: {  	v39 =	vld [tilespmem:$0x170];
	v38 =	vmul.u32 $0x3E8, v29;
	v0 =	vadd.s32 v26, v0  }
0x39: {  	v42 =	vld [tilespmem:$0x1E0];
	v41 =	vmul.u32 $0x3E8, v31;
	v40 =	vadd.s32 v28, v2;
	[tilespmem:$0x480] =	vst v0  }
0x3a: {  	v45 =	vld [tilespmem:$0x1F0];
	v44 =	vmul.u32 $0x3E8, v33;
	v43 =	vadd.s32 v30, v38;
	[tilespmem:$0x490] =	vst v40  }
0x3b: {  	v47 =	vmul.u32 $0x3E8, v35;
	v46 =	vadd.s32 v32, v41;
	[tilespmem:$0x4A0] =	vst v43  }
0x3c: {  	v49 =	vmul.u32 $0x3E8, v37;
	v48 =	vadd.s32 v34, v44;
	[tilespmem:$0x4B0] =	vst v46  }
0x3d: {  	v51 =	vmul.u32 $0x3E8, v39;
	v50 =	vadd.s32 v36, v47;
	[tilespmem:$0x4C0] =	vst v48  }
0x3e: {  	v52 =	vadd.s32 v42, v49;
	[tilespmem:$0x4D0] =	vst v50  }
0x3f: {  	v53 =	vadd.s32 v45, v51;
	[tilespmem:$0x4E0] =	vst v52  }
0x40: {  	[tilespmem:$0x4F0] =	vst v53  }
0x41: {  	[tilespmem:s15], [sflag:$0x2] =	stream.indirect.gather [hbm4b:s3+s11], $0x1, s14, s11, $0xb8;
	[tilespmem:$0x800] =	vst v63  }
0x42: {  	v54 =	vld [tilespmem:$0x200]  }
0x43: {  	v55 =	vld [tilespmem:$0x280]  }
0x44: {  	v56 =	vld [tilespmem:$0x210]  }
0x45: {  	v57 =	vld [tilespmem:$0x290]  }
0x46: {  	v58 =	vld [tilespmem:$0x220]  }
0x47: {  	v59 =	vld [tilespmem:$0x2A0]  }
0x48: {  	v60 =	vld [tilespmem:$0x230]  }
0x49: {  	v61 =	vld [tilespmem:$0x2B0]  }
0x4a: {  	v62 =	vld [tilespmem:$0x240]  }
0x4b: {  	v63 =	vld [tilespmem:$0x2C0]  }
0x4c: {  	v16 =	vld [tilespmem:$0x250]  }
0x4d: {  	v17 =	vld [tilespmem:$0x2D0];
	v0 =	vmul.u32 $0x3E8, v54  }
0x4e: {  	v18 =	vld [tilespmem:$0x260];
	v2 =	vmul.u32 $0x3E8, v56  }
0x4f: {  	v20 =	vld [tilespmem:$0x270];
	v19 =	vmul.u32 $0x3E8, v58;
	v0 =	vadd.s32 v55, v0  }
0x50: {  	v23 =	vld [tilespmem:$0x2E0];
	v22 =	vmul.u32 $0x3E8, v60;
	v21 =	vadd.s32 v57, v2;
	[tilespmem:$0x500] =	vst v0  }
0x51: {  	v26 =	vld [tilespmem:$0x2F0];
	v25 =	vmul.u32 $0x3E8, v62;
	v24 =	vadd.s32 v59, v19;
	[tilespmem:$0x510] =	vst v21  }
0x52: {  	v28 =	vmul.u32 $0x3E8, v16;
	v27 =	vadd.s32 v61, v22;
	[tilespmem:$0x520] =	vst v24  }
0x53: {  	v30 =	vmul.u32 $0x3E8, v18;
	v29 =	vadd.s32 v63, v25;
	[tilespmem:$0x530] =	vst v27  }
0x54: {  	v32 =	vmul.u32 $0x3E8, v20;
	v31 =	vadd.s32 v17, v28;
	[tilespmem:$0x540] =	vst v29  }
0x55: {  	v33 =	vadd.s32 v23, v30;
	[tilespmem:$0x550] =	vst v31  }
0x56: {  	v34 =	vadd.s32 v26, v32;
	[tilespmem:$0x560] =	vst v33  }
0x57: {  	[tilespmem:$0x570] =	vst v34  }
0x58: {  	[tilespmem:s17], [sflag:$0x3] =	stream.indirect.gather [hbm4b:s3+s11], $0x1, s16, s11, $0xb8;
	[tilespmem:$0x800] =	vst v63  }
0x59: {  	v35 =	vld [tilespmem:$0x300]  }
0x5a: {  	v36 =	vld [tilespmem:$0x380]  }
0x5b: {  	v37 =	vld [tilespmem:$0x310]  }
0x5c: {  	v38 =	vld [tilespmem:$0x390]  }
0x5d: {  	v39 =	vld [tilespmem:$0x320]  }
0x5e: {  	v40 =	vld [tilespmem:$0x3A0]  }
0x5f: {  	v41 =	vld [tilespmem:$0x330]  }
0x60: {  	v42 =	vld [tilespmem:$0x3B0]  }
0x61: {  	v43 =	vld [tilespmem:$0x340]  }
0x62: {  	v44 =	vld [tilespmem:$0x3C0]  }
0x63: {  	v45 =	vld [tilespmem:$0x350]  }
0x64: {  	v46 =	vld [tilespmem:$0x3D0];
	v0 =	vmul.u32 $0x3E8, v35  }
0x65: {  	v47 =	vld [tilespmem:$0x360];
	v2 =	vmul.u32 $0x3E8, v37  }
0x66: {  	v49 =	vld [tilespmem:$0x370];
	v48 =	vmul.u32 $0x3E8, v39;
	v0 =	vadd.s32 v36, v0  }
0x67: {  	v52 =	vld [tilespmem:$0x3E0];
	v51 =	vmul.u32 $0x3E8, v41;
	v50 =	vadd.s32 v38, v2;
	[tilespmem:$0x580] =	vst v0  }
0x68: {  	v55 =	vld [tilespmem:$0x3F0];
	v54 =	vmul.u32 $0x3E8, v43;
	v53 =	vadd.s32 v40, v48;
	[tilespmem:$0x590] =	vst v50  }
0x69: {  	v57 =	vmul.u32 $0x3E8, v45;
	v56 =	vadd.s32 v42, v51;
	[tilespmem:$0x5A0] =	vst v53  }
0x6a: {  	v59 =	vmul.u32 $0x3E8, v47;
	v58 =	vadd.s32 v44, v54;
	[tilespmem:$0x5B0] =	vst v56  }
0x6b: {  	v61 =	vmul.u32 $0x3E8, v49;
	v60 =	vadd.s32 v46, v57;
	[tilespmem:$0x5C0] =	vst v58  }
0x6c: {  	v62 =	vadd.s32 v52, v59;
	[tilespmem:$0x5D0] =	vst v60  }
0x6d: {  	v63 =	vadd.s32 v55, v61;
	[tilespmem:$0x5E0] =	vst v62  }
0x6e: {  	[tilespmem:$0x5F0] =	vst v63  }
0x6f: {  	[tilespmem:s19], [sflag:$0x4] =	stream.indirect.gather [hbm4b:s3+s11], $0x1, s18, s11, $0xb8;
	[tilespmem:$0x800] =	vst v63  }
0x70: {  	_ =	swait.ge [sflag:s20], $0x80  }
0x71: {  	[sflag:s20] =	ssyncset.done $0x0  }
0x72: {  	[sflag:s20] =	ssyncadd.s32 $0xFFFFFF80  }
0x73: {  	[hbm4b:s5+s2] =	stream.linear.scatter [tilespmem:s13], [sflag:$0x5], $0x80, $0x38;
	[tilespmem:$0x800] =	vst v63  }
0x74: {  	_ =	swait.ge [sflag:s10], $0x80  }
0x75: {  	[sflag:s10] =	ssyncset.done $0x0  }
0x76: {  	[sflag:s10] =	ssyncadd.s32 $0xFFFFFF80  }
0x77: {  	_ =	swait.ge [sflag:s21], $0x80  }
0x78: {  	[sflag:s21] =	ssyncset.done $0x0  }
0x79: {  	[sflag:s21] =	ssyncadd.s32 $0xFFFFFF80  }
0x7a: {  	[hbm4b:s6+s2] =	stream.linear.scatter [tilespmem:s15], [sflag:$0x5], $0x80, $0x38;
	[tilespmem:$0x800] =	vst v63  }
0x7b: {  	_ =	swait.ge [sflag:s10], $0x80  }
0x7c: {  	[sflag:s10] =	ssyncset.done $0x0  }
0x7d: {  	[sflag:s10] =	ssyncadd.s32 $0xFFFFFF80  }
0x7e: {  	_ =	swait.ge [sflag:s22], $0x80  }
0x7f: {  	[sflag:s22] =	ssyncset.done $0x0  }
0x80: {  	[sflag:s22] =	ssyncadd.s32 $0xFFFFFF80  }
0x81: {  	[hbm4b:s7+s2] =	stream.linear.scatter [tilespmem:s17], [sflag:$0x5], $0x80, $0x38;
	[tilespmem:$0x800] =	vst v63  }
0x82: {  	_ =	swait.ge [sflag:s10], $0x80  }
0x83: {  	[sflag:s10] =	ssyncset.done $0x0  }
0x84: {  	[sflag:s10] =	ssyncadd.s32 $0xFFFFFF80  }
0x85: {  	_ =	swait.ge [sflag:s23], $0x80  }
0x86: {  	p0 =	sne.s32 s9, $0x1;
	[sflag:s23] =	ssyncset.done $0x0  }
.Ltmp0:
0x87: {  	[sflag:s23] =	ssyncadd.s32 $0xFFFFFF80;
	(pc) =	sbr.rel @p0 .LBB2_1-.Ltmp0, $4  }
0x88: {  	[hbm4b:s8+s2] =	stream.linear.scatter [tilespmem:s19], [sflag:$0x5], $0x80, $0x38;
	[tilespmem:$0x800] =	vst v63  }
0x89: {  	_ =	swait.ge [sflag:s10], $0x80  }
0x8a: {  	[sflag:s10] =	ssyncset.done $0x0  }
0x8b: {  	s9 =	sadd.s32 $0xFFFFFFFF, s9;
	[sflag:s10] =	ssyncadd.s32 $0xFFFFFF80  }
0x8c: {  	_ =	sfence.sel $0x180000  }
0x8d: {  	[bflag:$0x0] =	sbarrier.arrive $0xFFFF  }
0x8e: {  	p0 =	sne.s32 s1, $0x0;
	_ =	strace $0x90000047  }
0x8f: {  	s0 =	sadd.s32 @!p0 $0x100000, s0;
	[bflag:$0x2] =	sbarrier.arrive $0xFFFF  }
0x90: {  	[sflag:s0] =	ssyncadd.tile.s32 @!p0 $0x1;
	_ =	shalt  }
.Lfunc_end2:
_tile_overlayer_lowered:
.L_overlay_start_2:
0x91: {  	(tag) =	ssettag $0x2  }
0x92: {  	s0 =	rddreg [dreg:$0x0];
	s2 =	stileid.u32  }
0x93: {  	s1 =	rddreg [dreg:$0x1];
	p0 =	sne.s32 s2, $0x0  }
0x94: {  	s3 =	rddreg [dreg:$0x2];
	[bflag:$0x3] =	sbarrier.arrive $0xFFFF;
	s2 =	simm.s32 @!p0 $0x1C05  }
0x95: {  	[timem:s3], [sflag:s2] =	dma.local @!p0 [hbm:s0], s1  }
0x96: {  	s0 =	simm.s32 @!p0 $0x5  }
0x97: {  	_ =	swait.ge @!p0 [sflag:s0], s1  }
0x98: {  	s1 =	ssub.s32 @!p0 $0x0, s1;
	[sflag:s0] =	ssyncset.done @!p0 $0x0  }
0x99: {  	[sflag:s0] =	ssyncadd.s32 @!p0 s1  }
0x9a: {  	[bflag:$0x3] =	sbarrier.arrive $0xFFFF  }
0x9b: {  	_ =	shalt  }

</sc_bundles>
